<compile_context>
chip_gen: v7x
topology: tpu7x:2x2x1
jax: 0.10.2.dev20260603
libtpu: 0.0.44.dev20260713+nightly
codegen_flags: <defaults>
</compile_context>

<pallas_src>
import functools

import jax
import jax.numpy as jnp
from jax import lax
from jax.experimental import pallas as pl
from jax.experimental.pallas import tpu as pltpu
from jax.experimental.pallas import tpu_sc as plsc

NUM_CORES = 2
NUM_SUBCORES = 16
NUM_WORKERS = NUM_CORES * NUM_SUBCORES

NUM_EMB = 1000000
NPAIR = NUM_EMB // 2
B = 4096 * 26
D = 64

CHUNK = 416
B_PER_W = B // NUM_WORKERS
NCHUNK = B_PER_W // CHUNK

SEL_I = 256


@jax.jit
def _sc_gather_pairs(w2, idx2):
    mesh = plsc.VectorSubcoreMesh(core_axis_name="c", subcore_axis_name="s")

    @functools.partial(
        pl.kernel,
        mesh=mesh,
        out_type=jax.ShapeDtypeStruct((4096, 26, 2 * D), jnp.float32),
        scratch_types=[
            pltpu.VMEM((CHUNK,), jnp.int32),
            pltpu.VMEM((CHUNK, 2 * D), jnp.float32),
            pltpu.SemaphoreType.DMA,
        ],
    )
    def k(table_hbm, idx_hbm, out_hbm, idx_v, rows_v, sem):
        wid = lax.axis_index("s") * NUM_CORES + lax.axis_index("c")
        base = wid * B_PER_W
        ci = CHUNK // 26
        for c in range(NCHUNK):
            off = base + c * CHUNK
            pltpu.sync_copy(idx_hbm.at[pl.ds(off, CHUNK)], idx_v)
            pltpu.async_copy(table_hbm.at[idx_v], rows_v, sem).wait()
            pltpu.sync_copy(
                rows_v.reshape(ci, 26, 2 * D),
                out_hbm.at[pl.ds(off // 26, ci)],
            )

    return k(w2, idx2)


def _select_body(pairs_ref, par_ref, out_ref):
    pairs = pairs_ref[...]
    par = par_ref[...]
    out_ref[...] = jnp.where(par[:, :, None] == 0, pairs[:, :, :D], pairs[:, :, D:])


@functools.partial(jax.jit, static_argnums=(2, 3))
def _tc_select(pairs3, parity, nrows, ncols):
    return pl.pallas_call(
        _select_body,
        out_shape=jax.ShapeDtypeStruct((nrows, ncols, D), jnp.float32),
        grid=(nrows // SEL_I,),
        in_specs=[
            pl.BlockSpec((SEL_I, ncols, 2 * D), lambda i: (i, 0, 0)),
            pl.BlockSpec((SEL_I, ncols), lambda i: (i, 0)),
        ],
        out_specs=pl.BlockSpec((SEL_I, ncols, D), lambda i: (i, 0, 0)),
    )(pairs3, parity)


def kernel(x, weight):
    s = x.shape
    idx_flat = x.reshape(-1).astype(jnp.int32)
    w2 = weight.reshape(NPAIR, 2 * D)
    pairs3 = _sc_gather_pairs(w2, idx_flat >> 1)
    parity = (x & 1).astype(jnp.int32)
    return _tc_select(pairs3, parity, s[0], s[1])

# --- scband reference (transcript-rebuilt; emitter-appended) ---
"""Pipeline reference for scband-fast-embedding-44255343018805 (READ-ONLY COPY).

The authoritative reference and input builder live on the scoring server;
editing this copy changes nothing except your own understanding.
"""

import jax, jax.numpy as jnp
import numpy as np

NUM_EMBEDDINGS = 1000000
EMBEDDING_DIM = 64

def setup_inputs(seed: int = 0) -> dict:
    key = jax.random.key(seed)
    k1, k2 = jax.random.split(key)
    x = jax.random.randint(k1, (4096, 26), 0, NUM_EMBEDDINGS, dtype=jnp.int64 if jax.config.jax_enable_x64 else jnp.int32)
    weight = jax.random.uniform(k2, (NUM_EMBEDDINGS, EMBEDDING_DIM), dtype=jnp.float32, minval=-1.0, maxval=1.0)
    return {"x": x, "weight": weight}

def reference(x, weight):
    s = x.shape
    values = jnp.take(weight, x.reshape(-1), axis=0)
    return values.reshape(s + (weight.shape[1],))

if __name__ == "__main__":
    import jax
    _d = setup_inputs()
    print(jax.jit(kernel)(*tuple(_d.values())))

</pallas_src>

<mosaic_0001>
#map = affine_map<(d0, d1) -> (0, 0)>
#map1 = affine_map<(d0, d1) -> (0)>
#map2 = affine_map<(d0, d1) -> (0, 0, 0)>
module attributes {stable_mosaic.version = 14 : i64} {
  func.func @k(%arg0: i32, %arg1: i32, %arg2: memref<500000x128xf32, #tpu.memory_space<hbm>>, %arg3: memref<106496xi32, #tpu.memory_space<hbm>>, %arg4: memref<4096x26x128xf32, #tpu.memory_space<hbm>>, %arg5: memref<416xi32, #tpu.memory_space<vmem>>, %arg6: memref<416x128xf32, #tpu.memory_space<vmem>>, %arg7: memref<!tpu.dma_semaphore, #tpu.memory_space<semaphore_mem>>) attributes {dimension_semantics = [#tpu.dimension_semantics<core_parallel>, #tpu.dimension_semantics<subcore_parallel>], iteration_bounds = array<i64: 2, 16>, scalar_prefetch = 0 : i64, scratch_operands = 3 : i64, tpu.core_type = #tpu.core_type<sc_vector_subcore>, window_params = [{transform_indices = #map}, {transform_indices = #map1}, {transform_indices = #map2}]} {
    %mul3A = arith.constant 2 : i32
    %mul3A_0 = arith.muli %arg1, %mul3A : i32
    %add3A = arith.addi %mul3A_0, %arg0 : i32
    %mul3A_1 = arith.constant 3328 : i32
    %mul3A_2 = arith.muli %add3A, %mul3A_1 : i32
    %add3A_3 = arith.constant 0 : i32
    %add3A_4 = arith.addi %mul3A_2, %add3A_3 : i32
    "tpu.region"() ({
      %run_scoped3A = tpu.sem_alloc : memref<!tpu.dma_semaphore, #tpu.memory_space<semaphore_mem>>
      %dma_start3A_249 = tpu.memref_slice %arg3[%add3A_4] : memref<106496xi32, #tpu.memory_space<hbm>> -> memref<416xi32, #tpu.memory_space<hbm>>
      %dma_start3A_250 = tpu.memref_slice %arg3[%add3A_4] : memref<106496xi32, #tpu.memory_space<hbm>> -> memref<416xi32, #tpu.memory_space<hbm>>
      tpu.enqueue_dma source(%dma_start3A_250 : memref<416xi32, #tpu.memory_space<hbm>>) target(%arg5 : memref<416xi32, #tpu.memory_space<vmem>>) target_semaphore(%run_scoped3A : memref<!tpu.dma_semaphore, #tpu.memory_space<semaphore_mem>>)
      %dma_wait3A_251 = tpu.memref_slice %arg3[%add3A_4] : memref<106496xi32, #tpu.memory_space<hbm>> -> memref<416xi32, #tpu.memory_space<hbm>>
      %dma_wait3A_252 = tpu.memref_slice %arg3[%add3A_4] : memref<106496xi32, #tpu.memory_space<hbm>> -> memref<416xi32, #tpu.memory_space<hbm>>
      tpu.wait_dma2 semaphore(%run_scoped3A : memref<!tpu.dma_semaphore, #tpu.memory_space<semaphore_mem>>) src(%dma_wait3A_252 : memref<416xi32, #tpu.memory_space<hbm>>) dst(%arg5 : memref<416xi32, #tpu.memory_space<vmem>>)
      tpu.yield
    }) : () -> ()
    %dma_start3A = arith.constant 0 : i32
    %dma_start3A_5 = arith.constant 0 : i32
    %dma_start3A_6 = tpu.memref_slice %arg2[%dma_start3A, %dma_start3A_5] : memref<500000x128xf32, #tpu.memory_space<hbm>> -> memref<500000x128xf32, #tpu.memory_space<hbm>>
    tpu.enqueue_indirect_dma source(%dma_start3A_6 : memref<500000x128xf32, #tpu.memory_space<hbm>>) target(%arg6 : memref<416x128xf32, #tpu.memory_space<vmem>>) offsets(%arg5 : memref<416xi32, #tpu.memory_space<vmem>>) semaphore(%arg7 : memref<!tpu.dma_semaphore, #tpu.memory_space<semaphore_mem>>)
    %dma_wait3A = arith.constant 0 : i32
    %dma_wait3A_7 = arith.constant 0 : i32
    %dma_wait3A_8 = tpu.memref_slice %arg2[%dma_wait3A, %dma_wait3A_7] : memref<500000x128xf32, #tpu.memory_space<hbm>> -> memref<500000x128xf32, #tpu.memory_space<hbm>>
    tpu.wait_indirect_dma semaphore(%arg7 : memref<!tpu.dma_semaphore, #tpu.memory_space<semaphore_mem>>) src(%dma_wait3A_8 : memref<500000x128xf32, #tpu.memory_space<hbm>>) dst(%arg6 : memref<416x128xf32, #tpu.memory_space<vmem>>)
    %jit3A = arith.constant 26 : i32
    %div3A = arith.divsi %add3A_4, %jit3A : i32
    %sign3A = arith.constant 0 : i32
    %sign3A_9 = arith.cmpi sgt, %add3A_4, %sign3A : i32
    %sign3A_10 = arith.extui %sign3A_9 : i1 to i32
    %sign3A_11 = arith.constant 0 : i32
    %sign3A_12 = arith.cmpi slt, %add3A_4, %sign3A_11 : i32
    %sign3A_13 = arith.extui %sign3A_12 : i1 to i32
    %sign3A_14 = arith.subi %sign3A_10, %sign3A_13 : i32
    %sign3A_15 = arith.constant 0 : i32
    %sign3A_16 = arith.cmpi sgt, %jit3A, %sign3A_15 : i32
    %sign3A_17 = arith.extui %sign3A_16 : i1 to i32
    %sign3A_18 = arith.constant 0 : i32
    %sign3A_19 = arith.cmpi slt, %jit3A, %sign3A_18 : i32
    %sign3A_20 = arith.extui %sign3A_19 : i1 to i32
    %sign3A_21 = arith.subi %sign3A_17, %sign3A_20 : i32
    %ne3A = arith.cmpi ne, %sign3A_14, %sign3A_21 : i32
    %rem3A = arith.remsi %add3A_4, %jit3A : i32
    %ne3A_22 = arith.constant 0 : i32
    %ne3A_23 = arith.cmpi ne, %rem3A, %ne3A_22 : i32
    %and3A = arith.andi %ne3A, %ne3A_23 : i1
    %sub3A = arith.constant 1 : i32
    %sub3A_24 = arith.subi %div3A, %sub3A : i32
    %select_n3A = arith.select %and3A, %sub3A_24, %div3A : i32
    "tpu.region"() ({
      %run_scoped3A = tpu.sem_alloc : memref<!tpu.dma_semaphore, #tpu.memory_space<semaphore_mem>>
      %dma_start3A_249 = tpu.memref_reshape %arg6 : memref<416x128xf32, #tpu.memory_space<vmem>> -> memref<16x26x128xf32, #tpu.memory_space<vmem>>
      %dma_start3A_250 = arith.constant 0 : i32
      %dma_start3A_251 = arith.constant 0 : i32
      %dma_start3A_252 = tpu.memref_slice %arg4[%select_n3A, %dma_start3A_250, %dma_start3A_251] : memref<4096x26x128xf32, #tpu.memory_space<hbm>> -> memref<16x26x128xf32, #tpu.memory_space<hbm>>
      %dma_start3A_253 = arith.constant 0 : i32
      %dma_start3A_254 = arith.constant 0 : i32
      %dma_start3A_255 = tpu.memref_slice %arg4[%select_n3A, %dma_start3A_253, %dma_start3A_254] : memref<4096x26x128xf32, #tpu.memory_space<hbm>> -> memref<16x26x128xf32, #tpu.memory_space<hbm>>
      %dma_start3A_256 = tpu.memref_reshape %arg6 : memref<416x128xf32, #tpu.memory_space<vmem>> -> memref<16x26x128xf32, #tpu.memory_space<vmem>>
      tpu.enqueue_dma source(%dma_start3A_256 : memref<16x26x128xf32, #tpu.memory_space<vmem>>) target(%dma_start3A_255 : memref<16x26x128xf32, #tpu.memory_space<hbm>>) target_semaphore(%run_scoped3A : memref<!tpu.dma_semaphore, #tpu.memory_space<semaphore_mem>>)
      %dma_wait3A_257 = tpu.memref_reshape %arg6 : memref<416x128xf32, #tpu.memory_space<vmem>> -> memref<16x26x128xf32, #tpu.memory_space<vmem>>
      %dma_wait3A_258 = arith.constant 0 : i32
      %dma_wait3A_259 = arith.constant 0 : i32
      %dma_wait3A_260 = tpu.memref_slice %arg4[%select_n3A, %dma_wait3A_258, %dma_wait3A_259] : memref<4096x26x128xf32, #tpu.memory_space<hbm>> -> memref<16x26x128xf32, #tpu.memory_space<hbm>>
      %dma_wait3A_261 = arith.constant 0 : i32
      %dma_wait3A_262 = arith.constant 0 : i32
      %dma_wait3A_263 = tpu.memref_slice %arg4[%select_n3A, %dma_wait3A_261, %dma_wait3A_262] : memref<4096x26x128xf32, #tpu.memory_space<hbm>> -> memref<16x26x128xf32, #tpu.memory_space<hbm>>
      %dma_wait3A_264 = tpu.memref_reshape %arg6 : memref<416x128xf32, #tpu.memory_space<vmem>> -> memref<16x26x128xf32, #tpu.memory_space<vmem>>
      tpu.wait_dma2 semaphore(%run_scoped3A : memref<!tpu.dma_semaphore, #tpu.memory_space<semaphore_mem>>) src(%dma_wait3A_264 : memref<16x26x128xf32, #tpu.memory_space<vmem>>) dst(%dma_wait3A_263 : memref<16x26x128xf32, #tpu.memory_space<hbm>>)
      tpu.yield
    }) : () -> ()
    %add3A_25 = arith.constant 416 : i32
    %add3A_26 = arith.addi %mul3A_2, %add3A_25 : i32
    "tpu.region"() ({
      %run_scoped3A = tpu.sem_alloc : memref<!tpu.dma_semaphore, #tpu.memory_space<semaphore_mem>>
      %dma_start3A_249 = tpu.memref_slice %arg3[%add3A_26] : memref<106496xi32, #tpu.memory_space<hbm>> -> memref<416xi32, #tpu.memory_space<hbm>>
      %dma_start3A_250 = tpu.memref_slice %arg3[%add3A_26] : memref<106496xi32, #tpu.memory_space<hbm>> -> memref<416xi32, #tpu.memory_space<hbm>>
      tpu.enqueue_dma source(%dma_start3A_250 : memref<416xi32, #tpu.memory_space<hbm>>) target(%arg5 : memref<416xi32, #tpu.memory_space<vmem>>) target_semaphore(%run_scoped3A : memref<!tpu.dma_semaphore, #tpu.memory_space<semaphore_mem>>)
      %dma_wait3A_251 = tpu.memref_slice %arg3[%add3A_26] : memref<106496xi32, #tpu.memory_space<hbm>> -> memref<416xi32, #tpu.memory_space<hbm>>
      %dma_wait3A_252 = tpu.memref_slice %arg3[%add3A_26] : memref<106496xi32, #tpu.memory_space<hbm>> -> memref<416xi32, #tpu.memory_space<hbm>>
      tpu.wait_dma2 semaphore(%run_scoped3A : memref<!tpu.dma_semaphore, #tpu.memory_space<semaphore_mem>>) src(%dma_wait3A_252 : memref<416xi32, #tpu.memory_space<hbm>>) dst(%arg5 : memref<416xi32, #tpu.memory_space<vmem>>)
      tpu.yield
    }) : () -> ()
    %dma_start3A_27 = arith.constant 0 : i32
    %dma_start3A_28 = arith.constant 0 : i32
    %dma_start3A_29 = tpu.memref_slice %arg2[%dma_start3A_27, %dma_start3A_28] : memref<500000x128xf32, #tpu.memory_space<hbm>> -> memref<500000x128xf32, #tpu.memory_space<hbm>>
    tpu.enqueue_indirect_dma source(%dma_start3A_29 : memref<500000x128xf32, #tpu.memory_space<hbm>>) target(%arg6 : memref<416x128xf32, #tpu.memory_space<vmem>>) offsets(%arg5 : memref<416xi32, #tpu.memory_space<vmem>>) semaphore(%arg7 : memref<!tpu.dma_semaphore, #tpu.memory_space<semaphore_mem>>)
    %dma_wait3A_30 = arith.constant 0 : i32
    %dma_wait3A_31 = arith.constant 0 : i32
    %dma_wait3A_32 = tpu.memref_slice %arg2[%dma_wait3A_30, %dma_wait3A_31] : memref<500000x128xf32, #tpu.memory_space<hbm>> -> memref<500000x128xf32, #tpu.memory_space<hbm>>
    tpu.wait_indirect_dma semaphore(%arg7 : memref<!tpu.dma_semaphore, #tpu.memory_space<semaphore_mem>>) src(%dma_wait3A_32 : memref<500000x128xf32, #tpu.memory_space<hbm>>) dst(%arg6 : memref<416x128xf32, #tpu.memory_space<vmem>>)
    %jit3A_33 = arith.constant 26 : i32
    %div3A_34 = arith.divsi %add3A_26, %jit3A_33 : i32
    %sign3A_35 = arith.constant 0 : i32
    %sign3A_36 = arith.cmpi sgt, %add3A_26, %sign3A_35 : i32
    %sign3A_37 = arith.extui %sign3A_36 : i1 to i32
    %sign3A_38 = arith.constant 0 : i32
    %sign3A_39 = arith.cmpi slt, %add3A_26, %sign3A_38 : i32
    %sign3A_40 = arith.extui %sign3A_39 : i1 to i32
    %sign3A_41 = arith.subi %sign3A_37, %sign3A_40 : i32
    %sign3A_42 = arith.constant 0 : i32
    %sign3A_43 = arith.cmpi sgt, %jit3A_33, %sign3A_42 : i32
    %sign3A_44 = arith.extui %sign3A_43 : i1 to i32
    %sign3A_45 = arith.constant 0 : i32
    %sign3A_46 = arith.cmpi slt, %jit3A_33, %sign3A_45 : i32
    %sign3A_47 = arith.extui %sign3A_46 : i1 to i32
    %sign3A_48 = arith.subi %sign3A_44, %sign3A_47 : i32
    %ne3A_49 = arith.cmpi ne, %sign3A_41, %sign3A_48 : i32
    %rem3A_50 = arith.remsi %add3A_26, %jit3A_33 : i32
    %ne3A_51 = arith.constant 0 : i32
    %ne3A_52 = arith.cmpi ne, %rem3A_50, %ne3A_51 : i32
    %and3A_53 = arith.andi %ne3A_49, %ne3A_52 : i1
    %sub3A_54 = arith.constant 1 : i32
    %sub3A_55 = arith.subi %div3A_34, %sub3A_54 : i32
    %select_n3A_56 = arith.select %and3A_53, %sub3A_55, %div3A_34 : i32
    "tpu.region"() ({
      %run_scoped3A = tpu.sem_alloc : memref<!tpu.dma_semaphore, #tpu.memory_space<semaphore_mem>>
      %dma_start3A_249 = tpu.memref_reshape %arg6 : memref<416x128xf32, #tpu.memory_space<vmem>> -> memref<16x26x128xf32, #tpu.memory_space<vmem>>
      %dma_start3A_250 = arith.constant 0 : i32
      %dma_start3A_251 = arith.constant 0 : i32
      %dma_start3A_252 = tpu.memref_slice %arg4[%select_n3A_56, %dma_start3A_250, %dma_start3A_251] : memref<4096x26x128xf32, #tpu.memory_space<hbm>> -> memref<16x26x128xf32, #tpu.memory_space<hbm>>
      %dma_start3A_253 = arith.constant 0 : i32
      %dma_start3A_254 = arith.constant 0 : i32
      %dma_start3A_255 = tpu.memref_slice %arg4[%select_n3A_56, %dma_start3A_253, %dma_start3A_254] : memref<4096x26x128xf32, #tpu.memory_space<hbm>> -> memref<16x26x128xf32, #tpu.memory_space<hbm>>
      %dma_start3A_256 = tpu.memref_reshape %arg6 : memref<416x128xf32, #tpu.memory_space<vmem>> -> memref<16x26x128xf32, #tpu.memory_space<vmem>>
      tpu.enqueue_dma source(%dma_start3A_256 : memref<16x26x128xf32, #tpu.memory_space<vmem>>) target(%dma_start3A_255 : memref<16x26x128xf32, #tpu.memory_space<hbm>>) target_semaphore(%run_scoped3A : memref<!tpu.dma_semaphore, #tpu.memory_space<semaphore_mem>>)
      %dma_wait3A_257 = tpu.memref_reshape %arg6 : memref<416x128xf32, #tpu.memory_space<vmem>> -> memref<16x26x128xf32, #tpu.memory_space<vmem>>
      %dma_wait3A_258 = arith.constant 0 : i32
      %dma_wait3A_259 = arith.constant 0 : i32
      %dma_wait3A_260 = tpu.memref_slice %arg4[%select_n3A_56, %dma_wait3A_258, %dma_wait3A_259] : memref<4096x26x128xf32, #tpu.memory_space<hbm>> -> memref<16x26x128xf32, #tpu.memory_space<hbm>>
      %dma_wait3A_261 = arith.constant 0 : i32
      %dma_wait3A_262 = arith.constant 0 : i32
      %dma_wait3A_263 = tpu.memref_slice %arg4[%select_n3A_56, %dma_wait3A_261, %dma_wait3A_262] : memref<4096x26x128xf32, #tpu.memory_space<hbm>> -> memref<16x26x128xf32, #tpu.memory_space<hbm>>
      %dma_wait3A_264 = tpu.memref_reshape %arg6 : memref<416x128xf32, #tpu.memory_space<vmem>> -> memref<16x26x128xf32, #tpu.memory_space<vmem>>
      tpu.wait_dma2 semaphore(%run_scoped3A : memref<!tpu.dma_semaphore, #tpu.memory_space<semaphore_mem>>) src(%dma_wait3A_264 : memref<16x26x128xf32, #tpu.memory_space<vmem>>) dst(%dma_wait3A_263 : memref<16x26x128xf32, #tpu.memory_space<hbm>>)
      tpu.yield
    }) : () -> ()
    %add3A_57 = arith.constant 832 : i32
    %add3A_58 = arith.addi %mul3A_2, %add3A_57 : i32
    "tpu.region"() ({
      %run_scoped3A = tpu.sem_alloc : memref<!tpu.dma_semaphore, #tpu.memory_space<semaphore_mem>>
      %dma_start3A_249 = tpu.memref_slice %arg3[%add3A_58] : memref<106496xi32, #tpu.memory_space<hbm>> -> memref<416xi32, #tpu.memory_space<hbm>>
      %dma_start3A_250 = tpu.memref_slice %arg3[%add3A_58] : memref<106496xi32, #tpu.memory_space<hbm>> -> memref<416xi32, #tpu.memory_space<hbm>>
      tpu.enqueue_dma source(%dma_start3A_250 : memref<416xi32, #tpu.memory_space<hbm>>) target(%arg5 : memref<416xi32, #tpu.memory_space<vmem>>) target_semaphore(%run_scoped3A : memref<!tpu.dma_semaphore, #tpu.memory_space<semaphore_mem>>)
      %dma_wait3A_251 = tpu.memref_slice %arg3[%add3A_58] : memref<106496xi32, #tpu.memory_space<hbm>> -> memref<416xi32, #tpu.memory_space<hbm>>
      %dma_wait3A_252 = tpu.memref_slice %arg3[%add3A_58] : memref<106496xi32, #tpu.memory_space<hbm>> -> memref<416xi32, #tpu.memory_space<hbm>>
      tpu.wait_dma2 semaphore(%run_scoped3A : memref<!tpu.dma_semaphore, #tpu.memory_space<semaphore_mem>>) src(%dma_wait3A_252 : memref<416xi32, #tpu.memory_space<hbm>>) dst(%arg5 : memref<416xi32, #tpu.memory_space<vmem>>)
      tpu.yield
    }) : () -> ()
    %dma_start3A_59 = arith.constant 0 : i32
    %dma_start3A_60 = arith.constant 0 : i32
    %dma_start3A_61 = tpu.memref_slice %arg2[%dma_start3A_59, %dma_start3A_60] : memref<500000x128xf32, #tpu.memory_space<hbm>> -> memref<500000x128xf32, #tpu.memory_space<hbm>>
    tpu.enqueue_indirect_dma source(%dma_start3A_61 : memref<500000x128xf32, #tpu.memory_space<hbm>>) target(%arg6 : memref<416x128xf32, #tpu.memory_space<vmem>>) offsets(%arg5 : memref<416xi32, #tpu.memory_space<vmem>>) semaphore(%arg7 : memref<!tpu.dma_semaphore, #tpu.memory_space<semaphore_mem>>)
    %dma_wait3A_62 = arith.constant 0 : i32
    %dma_wait3A_63 = arith.constant 0 : i32
    %dma_wait3A_64 = tpu.memref_slice %arg2[%dma_wait3A_62, %dma_wait3A_63] : memref<500000x128xf32, #tpu.memory_space<hbm>> -> memref<500000x128xf32, #tpu.memory_space<hbm>>
    tpu.wait_indirect_dma semaphore(%arg7 : memref<!tpu.dma_semaphore, #tpu.memory_space<semaphore_mem>>) src(%dma_wait3A_64 : memref<500000x128xf32, #tpu.memory_space<hbm>>) dst(%arg6 : memref<416x128xf32, #tpu.memory_space<vmem>>)
    %jit3A_65 = arith.constant 26 : i32
    %div3A_66 = arith.divsi %add3A_58, %jit3A_65 : i32
    %sign3A_67 = arith.constant 0 : i32
    %sign3A_68 = arith.cmpi sgt, %add3A_58, %sign3A_67 : i32
    %sign3A_69 = arith.extui %sign3A_68 : i1 to i32
    %sign3A_70 = arith.constant 0 : i32
    %sign3A_71 = arith.cmpi slt, %add3A_58, %sign3A_70 : i32
    %sign3A_72 = arith.extui %sign3A_71 : i1 to i32
    %sign3A_73 = arith.subi %sign3A_69, %sign3A_72 : i32
    %sign3A_74 = arith.constant 0 : i32
    %sign3A_75 = arith.cmpi sgt, %jit3A_65, %sign3A_74 : i32
    %sign3A_76 = arith.extui %sign3A_75 : i1 to i32
    %sign3A_77 = arith.constant 0 : i32
    %sign3A_78 = arith.cmpi slt, %jit3A_65, %sign3A_77 : i32
    %sign3A_79 = arith.extui %sign3A_78 : i1 to i32
    %sign3A_80 = arith.subi %sign3A_76, %sign3A_79 : i32
    %ne3A_81 = arith.cmpi ne, %sign3A_73, %sign3A_80 : i32
    %rem3A_82 = arith.remsi %add3A_58, %jit3A_65 : i32
    %ne3A_83 = arith.constant 0 : i32
    %ne3A_84 = arith.cmpi ne, %rem3A_82, %ne3A_83 : i32
    %and3A_85 = arith.andi %ne3A_81, %ne3A_84 : i1
    %sub3A_86 = arith.constant 1 : i32
    %sub3A_87 = arith.subi %div3A_66, %sub3A_86 : i32
    %select_n3A_88 = arith.select %and3A_85, %sub3A_87, %div3A_66 : i32
    "tpu.region"() ({
      %run_scoped3A = tpu.sem_alloc : memref<!tpu.dma_semaphore, #tpu.memory_space<semaphore_mem>>
      %dma_start3A_249 = tpu.memref_reshape %arg6 : memref<416x128xf32, #tpu.memory_space<vmem>> -> memref<16x26x128xf32, #tpu.memory_space<vmem>>
      %dma_start3A_250 = arith.constant 0 : i32
      %dma_start3A_251 = arith.constant 0 : i32
      %dma_start3A_252 = tpu.memref_slice %arg4[%select_n3A_88, %dma_start3A_250, %dma_start3A_251] : memref<4096x26x128xf32, #tpu.memory_space<hbm>> -> memref<16x26x128xf32, #tpu.memory_space<hbm>>
      %dma_start3A_253 = arith.constant 0 : i32
      %dma_start3A_254 = arith.constant 0 : i32
      %dma_start3A_255 = tpu.memref_slice %arg4[%select_n3A_88, %dma_start3A_253, %dma_start3A_254] : memref<4096x26x128xf32, #tpu.memory_space<hbm>> -> memref<16x26x128xf32, #tpu.memory_space<hbm>>
      %dma_start3A_256 = tpu.memref_reshape %arg6 : memref<416x128xf32, #tpu.memory_space<vmem>> -> memref<16x26x128xf32, #tpu.memory_space<vmem>>
      tpu.enqueue_dma source(%dma_start3A_256 : memref<16x26x128xf32, #tpu.memory_space<vmem>>) target(%dma_start3A_255 : memref<16x26x128xf32, #tpu.memory_space<hbm>>) target_semaphore(%run_scoped3A : memref<!tpu.dma_semaphore, #tpu.memory_space<semaphore_mem>>)
      %dma_wait3A_257 = tpu.memref_reshape %arg6 : memref<416x128xf32, #tpu.memory_space<vmem>> -> memref<16x26x128xf32, #tpu.memory_space<vmem>>
      %dma_wait3A_258 = arith.constant 0 : i32
      %dma_wait3A_259 = arith.constant 0 : i32
      %dma_wait3A_260 = tpu.memref_slice %arg4[%select_n3A_88, %dma_wait3A_258, %dma_wait3A_259] : memref<4096x26x128xf32, #tpu.memory_space<hbm>> -> memref<16x26x128xf32, #tpu.memory_space<hbm>>
      %dma_wait3A_261 = arith.constant 0 : i32
      %dma_wait3A_262 = arith.constant 0 : i32
      %dma_wait3A_263 = tpu.memref_slice %arg4[%select_n3A_88, %dma_wait3A_261, %dma_wait3A_262] : memref<4096x26x128xf32, #tpu.memory_space<hbm>> -> memref<16x26x128xf32, #tpu.memory_space<hbm>>
      %dma_wait3A_264 = tpu.memref_reshape %arg6 : memref<416x128xf32, #tpu.memory_space<vmem>> -> memref<16x26x128xf32, #tpu.memory_space<vmem>>
      tpu.wait_dma2 semaphore(%run_scoped3A : memref<!tpu.dma_semaphore, #tpu.memory_space<semaphore_mem>>) src(%dma_wait3A_264 : memref<16x26x128xf32, #tpu.memory_space<vmem>>) dst(%dma_wait3A_263 : memref<16x26x128xf32, #tpu.memory_space<hbm>>)
      tpu.yield
    }) : () -> ()
    %add3A_89 = arith.constant 1248 : i32
    %add3A_90 = arith.addi %mul3A_2, %add3A_89 : i32
    "tpu.region"() ({
      %run_scoped3A = tpu.sem_alloc : memref<!tpu.dma_semaphore, #tpu.memory_space<semaphore_mem>>
      %dma_start3A_249 = tpu.memref_slice %arg3[%add3A_90] : memref<106496xi32, #tpu.memory_space<hbm>> -> memref<416xi32, #tpu.memory_space<hbm>>
      %dma_start3A_250 = tpu.memref_slice %arg3[%add3A_90] : memref<106496xi32, #tpu.memory_space<hbm>> -> memref<416xi32, #tpu.memory_space<hbm>>
      tpu.enqueue_dma source(%dma_start3A_250 : memref<416xi32, #tpu.memory_space<hbm>>) target(%arg5 : memref<416xi32, #tpu.memory_space<vmem>>) target_semaphore(%run_scoped3A : memref<!tpu.dma_semaphore, #tpu.memory_space<semaphore_mem>>)
      %dma_wait3A_251 = tpu.memref_slice %arg3[%add3A_90] : memref<106496xi32, #tpu.memory_space<hbm>> -> memref<416xi32, #tpu.memory_space<hbm>>
      %dma_wait3A_252 = tpu.memref_slice %arg3[%add3A_90] : memref<106496xi32, #tpu.memory_space<hbm>> -> memref<416xi32, #tpu.memory_space<hbm>>
      tpu.wait_dma2 semaphore(%run_scoped3A : memref<!tpu.dma_semaphore, #tpu.memory_space<semaphore_mem>>) src(%dma_wait3A_252 : memref<416xi32, #tpu.memory_space<hbm>>) dst(%arg5 : memref<416xi32, #tpu.memory_space<vmem>>)
      tpu.yield
    }) : () -> ()
    %dma_start3A_91 = arith.constant 0 : i32
    %dma_start3A_92 = arith.constant 0 : i32
    %dma_start3A_93 = tpu.memref_slice %arg2[%dma_start3A_91, %dma_start3A_92] : memref<500000x128xf32, #tpu.memory_space<hbm>> -> memref<500000x128xf32, #tpu.memory_space<hbm>>
    tpu.enqueue_indirect_dma source(%dma_start3A_93 : memref<500000x128xf32, #tpu.memory_space<hbm>>) target(%arg6 : memref<416x128xf32, #tpu.memory_space<vmem>>) offsets(%arg5 : memref<416xi32, #tpu.memory_space<vmem>>) semaphore(%arg7 : memref<!tpu.dma_semaphore, #tpu.memory_space<semaphore_mem>>)
    %dma_wait3A_94 = arith.constant 0 : i32
    %dma_wait3A_95 = arith.constant 0 : i32
    %dma_wait3A_96 = tpu.memref_slice %arg2[%dma_wait3A_94, %dma_wait3A_95] : memref<500000x128xf32, #tpu.memory_space<hbm>> -> memref<500000x128xf32, #tpu.memory_space<hbm>>
    tpu.wait_indirect_dma semaphore(%arg7 : memref<!tpu.dma_semaphore, #tpu.memory_space<semaphore_mem>>) src(%dma_wait3A_96 : memref<500000x128xf32, #tpu.memory_space<hbm>>) dst(%arg6 : memref<416x128xf32, #tpu.memory_space<vmem>>)
    %jit3A_97 = arith.constant 26 : i32
    %div3A_98 = arith.divsi %add3A_90, %jit3A_97 : i32
    %sign3A_99 = arith.constant 0 : i32
    %sign3A_100 = arith.cmpi sgt, %add3A_90, %sign3A_99 : i32
    %sign3A_101 = arith.extui %sign3A_100 : i1 to i32
    %sign3A_102 = arith.constant 0 : i32
    %sign3A_103 = arith.cmpi slt, %add3A_90, %sign3A_102 : i32
    %sign3A_104 = arith.extui %sign3A_103 : i1 to i32
    %sign3A_105 = arith.subi %sign3A_101, %sign3A_104 : i32
    %sign3A_106 = arith.constant 0 : i32
    %sign3A_107 = arith.cmpi sgt, %jit3A_97, %sign3A_106 : i32
    %sign3A_108 = arith.extui %sign3A_107 : i1 to i32
    %sign3A_109 = arith.constant 0 : i32
    %sign3A_110 = arith.cmpi slt, %jit3A_97, %sign3A_109 : i32
    %sign3A_111 = arith.extui %sign3A_110 : i1 to i32
    %sign3A_112 = arith.subi %sign3A_108, %sign3A_111 : i32
    %ne3A_113 = arith.cmpi ne, %sign3A_105, %sign3A_112 : i32
    %rem3A_114 = arith.remsi %add3A_90, %jit3A_97 : i32
    %ne3A_115 = arith.constant 0 : i32
    %ne3A_116 = arith.cmpi ne, %rem3A_114, %ne3A_115 : i32
    %and3A_117 = arith.andi %ne3A_113, %ne3A_116 : i1
    %sub3A_118 = arith.constant 1 : i32
    %sub3A_119 = arith.subi %div3A_98, %sub3A_118 : i32
    %select_n3A_120 = arith.select %and3A_117, %sub3A_119, %div3A_98 : i32
    "tpu.region"() ({
      %run_scoped3A = tpu.sem_alloc : memref<!tpu.dma_semaphore, #tpu.memory_space<semaphore_mem>>
      %dma_start3A_249 = tpu.memref_reshape %arg6 : memref<416x128xf32, #tpu.memory_space<vmem>> -> memref<16x26x128xf32, #tpu.memory_space<vmem>>
      %dma_start3A_250 = arith.constant 0 : i32
      %dma_start3A_251 = arith.constant 0 : i32
      %dma_start3A_252 = tpu.memref_slice %arg4[%select_n3A_120, %dma_start3A_250, %dma_start3A_251] : memref<4096x26x128xf32, #tpu.memory_space<hbm>> -> memref<16x26x128xf32, #tpu.memory_space<hbm>>
      %dma_start3A_253 = arith.constant 0 : i32
      %dma_start3A_254 = arith.constant 0 : i32
      %dma_start3A_255 = tpu.memref_slice %arg4[%select_n3A_120, %dma_start3A_253, %dma_start3A_254] : memref<4096x26x128xf32, #tpu.memory_space<hbm>> -> memref<16x26x128xf32, #tpu.memory_space<hbm>>
      %dma_start3A_256 = tpu.memref_reshape %arg6 : memref<416x128xf32, #tpu.memory_space<vmem>> -> memref<16x26x128xf32, #tpu.memory_space<vmem>>
      tpu.enqueue_dma source(%dma_start3A_256 : memref<16x26x128xf32, #tpu.memory_space<vmem>>) target(%dma_start3A_255 : memref<16x26x128xf32, #tpu.memory_space<hbm>>) target_semaphore(%run_scoped3A : memref<!tpu.dma_semaphore, #tpu.memory_space<semaphore_mem>>)
      %dma_wait3A_257 = tpu.memref_reshape %arg6 : memref<416x128xf32, #tpu.memory_space<vmem>> -> memref<16x26x128xf32, #tpu.memory_space<vmem>>
      %dma_wait3A_258 = arith.constant 0 : i32
      %dma_wait3A_259 = arith.constant 0 : i32
      %dma_wait3A_260 = tpu.memref_slice %arg4[%select_n3A_120, %dma_wait3A_258, %dma_wait3A_259] : memref<4096x26x128xf32, #tpu.memory_space<hbm>> -> memref<16x26x128xf32, #tpu.memory_space<hbm>>
      %dma_wait3A_261 = arith.constant 0 : i32
      %dma_wait3A_262 = arith.constant 0 : i32
      %dma_wait3A_263 = tpu.memref_slice %arg4[%select_n3A_120, %dma_wait3A_261, %dma_wait3A_262] : memref<4096x26x128xf32, #tpu.memory_space<hbm>> -> memref<16x26x128xf32, #tpu.memory_space<hbm>>
      %dma_wait3A_264 = tpu.memref_reshape %arg6 : memref<416x128xf32, #tpu.memory_space<vmem>> -> memref<16x26x128xf32, #tpu.memory_space<vmem>>
      tpu.wait_dma2 semaphore(%run_scoped3A : memref<!tpu.dma_semaphore, #tpu.memory_space<semaphore_mem>>) src(%dma_wait3A_264 : memref<16x26x128xf32, #tpu.memory_space<vmem>>) dst(%dma_wait3A_263 : memref<16x26x128xf32, #tpu.memory_space<hbm>>)
      tpu.yield
    }) : () -> ()
    %add3A_121 = arith.constant 1664 : i32
    %add3A_122 = arith.addi %mul3A_2, %add3A_121 : i32
    "tpu.region"() ({
      %run_scoped3A = tpu.sem_alloc : memref<!tpu.dma_semaphore, #tpu.memory_space<semaphore_mem>>
      %dma_start3A_249 = tpu.memref_slice %arg3[%add3A_122] : memref<106496xi32, #tpu.memory_space<hbm>> -> memref<416xi32, #tpu.memory_space<hbm>>
      %dma_start3A_250 = tpu.memref_slice %arg3[%add3A_122] : memref<106496xi32, #tpu.memory_space<hbm>> -> memref<416xi32, #tpu.memory_space<hbm>>
      tpu.enqueue_dma source(%dma_start3A_250 : memref<416xi32, #tpu.memory_space<hbm>>) target(%arg5 : memref<416xi32, #tpu.memory_space<vmem>>) target_semaphore(%run_scoped3A : memref<!tpu.dma_semaphore, #tpu.memory_space<semaphore_mem>>)
      %dma_wait3A_251 = tpu.memref_slice %arg3[%add3A_122] : memref<106496xi32, #tpu.memory_space<hbm>> -> memref<416xi32, #tpu.memory_space<hbm>>
      %dma_wait3A_252 = tpu.memref_slice %arg3[%add3A_122] : memref<106496xi32, #tpu.memory_space<hbm>> -> memref<416xi32, #tpu.memory_space<hbm>>
      tpu.wait_dma2 semaphore(%run_scoped3A : memref<!tpu.dma_semaphore, #tpu.memory_space<semaphore_mem>>) src(%dma_wait3A_252 : memref<416xi32, #tpu.memory_space<hbm>>) dst(%arg5 : memref<416xi32, #tpu.memory_space<vmem>>)
      tpu.yield
    }) : () -> ()
    %dma_start3A_123 = arith.constant 0 : i32
    %dma_start3A_124 = arith.constant 0 : i32
    %dma_start3A_125 = tpu.memref_slice %arg2[%dma_start3A_123, %dma_start3A_124] : memref<500000x128xf32, #tpu.memory_space<hbm>> -> memref<500000x128xf32, #tpu.memory_space<hbm>>
    tpu.enqueue_indirect_dma source(%dma_start3A_125 : memref<500000x128xf32, #tpu.memory_space<hbm>>) target(%arg6 : memref<416x128xf32, #tpu.memory_space<vmem>>) offsets(%arg5 : memref<416xi32, #tpu.memory_space<vmem>>) semaphore(%arg7 : memref<!tpu.dma_semaphore, #tpu.memory_space<semaphore_mem>>)
    %dma_wait3A_126 = arith.constant 0 : i32
    %dma_wait3A_127 = arith.constant 0 : i32
    %dma_wait3A_128 = tpu.memref_slice %arg2[%dma_wait3A_126, %dma_wait3A_127] : memref<500000x128xf32, #tpu.memory_space<hbm>> -> memref<500000x128xf32, #tpu.memory_space<hbm>>
    tpu.wait_indirect_dma semaphore(%arg7 : memref<!tpu.dma_semaphore, #tpu.memory_space<semaphore_mem>>) src(%dma_wait3A_128 : memref<500000x128xf32, #tpu.memory_space<hbm>>) dst(%arg6 : memref<416x128xf32, #tpu.memory_space<vmem>>)
    %jit3A_129 = arith.constant 26 : i32
    %div3A_130 = arith.divsi %add3A_122, %jit3A_129 : i32
    %sign3A_131 = arith.constant 0 : i32
    %sign3A_132 = arith.cmpi sgt, %add3A_122, %sign3A_131 : i32
    %sign3A_133 = arith.extui %sign3A_132 : i1 to i32
    %sign3A_134 = arith.constant 0 : i32
    %sign3A_135 = arith.cmpi slt, %add3A_122, %sign3A_134 : i32
    %sign3A_136 = arith.extui %sign3A_135 : i1 to i32
    %sign3A_137 = arith.subi %sign3A_133, %sign3A_136 : i32
    %sign3A_138 = arith.constant 0 : i32
    %sign3A_139 = arith.cmpi sgt, %jit3A_129, %sign3A_138 : i32
    %sign3A_140 = arith.extui %sign3A_139 : i1 to i32
    %sign3A_141 = arith.constant 0 : i32
    %sign3A_142 = arith.cmpi slt, %jit3A_129, %sign3A_141 : i32
    %sign3A_143 = arith.extui %sign3A_142 : i1 to i32
    %sign3A_144 = arith.subi %sign3A_140, %sign3A_143 : i32
    %ne3A_145 = arith.cmpi ne, %sign3A_137, %sign3A_144 : i32
    %rem3A_146 = arith.remsi %add3A_122, %jit3A_129 : i32
    %ne3A_147 = arith.constant 0 : i32
    %ne3A_148 = arith.cmpi ne, %rem3A_146, %ne3A_147 : i32
    %and3A_149 = arith.andi %ne3A_145, %ne3A_148 : i1
    %sub3A_150 = arith.constant 1 : i32
    %sub3A_151 = arith.subi %div3A_130, %sub3A_150 : i32
    %select_n3A_152 = arith.select %and3A_149, %sub3A_151, %div3A_130 : i32
    "tpu.region"() ({
      %run_scoped3A = tpu.sem_alloc : memref<!tpu.dma_semaphore, #tpu.memory_space<semaphore_mem>>
      %dma_start3A_249 = tpu.memref_reshape %arg6 : memref<416x128xf32, #tpu.memory_space<vmem>> -> memref<16x26x128xf32, #tpu.memory_space<vmem>>
      %dma_start3A_250 = arith.constant 0 : i32
      %dma_start3A_251 = arith.constant 0 : i32
      %dma_start3A_252 = tpu.memref_slice %arg4[%select_n3A_152, %dma_start3A_250, %dma_start3A_251] : memref<4096x26x128xf32, #tpu.memory_space<hbm>> -> memref<16x26x128xf32, #tpu.memory_space<hbm>>
      %dma_start3A_253 = arith.constant 0 : i32
      %dma_start3A_254 = arith.constant 0 : i32
      %dma_start3A_255 = tpu.memref_slice %arg4[%select_n3A_152, %dma_start3A_253, %dma_start3A_254] : memref<4096x26x128xf32, #tpu.memory_space<hbm>> -> memref<16x26x128xf32, #tpu.memory_space<hbm>>
      %dma_start3A_256 = tpu.memref_reshape %arg6 : memref<416x128xf32, #tpu.memory_space<vmem>> -> memref<16x26x128xf32, #tpu.memory_space<vmem>>
      tpu.enqueue_dma source(%dma_start3A_256 : memref<16x26x128xf32, #tpu.memory_space<vmem>>) target(%dma_start3A_255 : memref<16x26x128xf32, #tpu.memory_space<hbm>>) target_semaphore(%run_scoped3A : memref<!tpu.dma_semaphore, #tpu.memory_space<semaphore_mem>>)
      %dma_wait3A_257 = tpu.memref_reshape %arg6 : memref<416x128xf32, #tpu.memory_space<vmem>> -> memref<16x26x128xf32, #tpu.memory_space<vmem>>
      %dma_wait3A_258 = arith.constant 0 : i32
      %dma_wait3A_259 = arith.constant 0 : i32
      %dma_wait3A_260 = tpu.memref_slice %arg4[%select_n3A_152, %dma_wait3A_258, %dma_wait3A_259] : memref<4096x26x128xf32, #tpu.memory_space<hbm>> -> memref<16x26x128xf32, #tpu.memory_space<hbm>>
      %dma_wait3A_261 = arith.constant 0 : i32
      %dma_wait3A_262 = arith.constant 0 : i32
      %dma_wait3A_263 = tpu.memref_slice %arg4[%select_n3A_152, %dma_wait3A_261, %dma_wait3A_262] : memref<4096x26x128xf32, #tpu.memory_space<hbm>> -> memref<16x26x128xf32, #tpu.memory_space<hbm>>
      %dma_wait3A_264 = tpu.memref_reshape %arg6 : memref<416x128xf32, #tpu.memory_space<vmem>> -> memref<16x26x128xf32, #tpu.memory_space<vmem>>
      tpu.wait_dma2 semaphore(%run_scoped3A : memref<!tpu.dma_semaphore, #tpu.memory_space<semaphore_mem>>) src(%dma_wait3A_264 : memref<16x26x128xf32, #tpu.memory_space<vmem>>) dst(%dma_wait3A_263 : memref<16x26x128xf32, #tpu.memory_space<hbm>>)
      tpu.yield
    }) : () -> ()
    %add3A_153 = arith.constant 2080 : i32
    %add3A_154 = arith.addi %mul3A_2, %add3A_153 : i32
    "tpu.region"() ({
      %run_scoped3A = tpu.sem_alloc : memref<!tpu.dma_semaphore, #tpu.memory_space<semaphore_mem>>
      %dma_start3A_249 = tpu.memref_slice %arg3[%add3A_154] : memref<106496xi32, #tpu.memory_space<hbm>> -> memref<416xi32, #tpu.memory_space<hbm>>
      %dma_start3A_250 = tpu.memref_slice %arg3[%add3A_154] : memref<106496xi32, #tpu.memory_space<hbm>> -> memref<416xi32, #tpu.memory_space<hbm>>
      tpu.enqueue_dma source(%dma_start3A_250 : memref<416xi32, #tpu.memory_space<hbm>>) target(%arg5 : memref<416xi32, #tpu.memory_space<vmem>>) target_semaphore(%run_scoped3A : memref<!tpu.dma_semaphore, #tpu.memory_space<semaphore_mem>>)
      %dma_wait3A_251 = tpu.memref_slice %arg3[%add3A_154] : memref<106496xi32, #tpu.memory_space<hbm>> -> memref<416xi32, #tpu.memory_space<hbm>>
      %dma_wait3A_252 = tpu.memref_slice %arg3[%add3A_154] : memref<106496xi32, #tpu.memory_space<hbm>> -> memref<416xi32, #tpu.memory_space<hbm>>
      tpu.wait_dma2 semaphore(%run_scoped3A : memref<!tpu.dma_semaphore, #tpu.memory_space<semaphore_mem>>) src(%dma_wait3A_252 : memref<416xi32, #tpu.memory_space<hbm>>) dst(%arg5 : memref<416xi32, #tpu.memory_space<vmem>>)
      tpu.yield
    }) : () -> ()
    %dma_start3A_155 = arith.constant 0 : i32
    %dma_start3A_156 = arith.constant 0 : i32
    %dma_start3A_157 = tpu.memref_slice %arg2[%dma_start3A_155, %dma_start3A_156] : memref<500000x128xf32, #tpu.memory_space<hbm>> -> memref<500000x128xf32, #tpu.memory_space<hbm>>
    tpu.enqueue_indirect_dma source(%dma_start3A_157 : memref<500000x128xf32, #tpu.memory_space<hbm>>) target(%arg6 : memref<416x128xf32, #tpu.memory_space<vmem>>) offsets(%arg5 : memref<416xi32, #tpu.memory_space<vmem>>) semaphore(%arg7 : memref<!tpu.dma_semaphore, #tpu.memory_space<semaphore_mem>>)
    %dma_wait3A_158 = arith.constant 0 : i32
    %dma_wait3A_159 = arith.constant 0 : i32
    %dma_wait3A_160 = tpu.memref_slice %arg2[%dma_wait3A_158, %dma_wait3A_159] : memref<500000x128xf32, #tpu.memory_space<hbm>> -> memref<500000x128xf32, #tpu.memory_space<hbm>>
    tpu.wait_indirect_dma semaphore(%arg7 : memref<!tpu.dma_semaphore, #tpu.memory_space<semaphore_mem>>) src(%dma_wait3A_160 : memref<500000x128xf32, #tpu.memory_space<hbm>>) dst(%arg6 : memref<416x128xf32, #tpu.memory_space<vmem>>)
    %jit3A_161 = arith.constant 26 : i32
    %div3A_162 = arith.divsi %add3A_154, %jit3A_161 : i32
    %sign3A_163 = arith.constant 0 : i32
    %sign3A_164 = arith.cmpi sgt, %add3A_154, %sign3A_163 : i32
    %sign3A_165 = arith.extui %sign3A_164 : i1 to i32
    %sign3A_166 = arith.constant 0 : i32
    %sign3A_167 = arith.cmpi slt, %add3A_154, %sign3A_166 : i32
    %sign3A_168 = arith.extui %sign3A_167 : i1 to i32
    %sign3A_169 = arith.subi %sign3A_165, %sign3A_168 : i32
    %sign3A_170 = arith.constant 0 : i32
    %sign3A_171 = arith.cmpi sgt, %jit3A_161, %sign3A_170 : i32
    %sign3A_172 = arith.extui %sign3A_171 : i1 to i32
    %sign3A_173 = arith.constant 0 : i32
    %sign3A_174 = arith.cmpi slt, %jit3A_161, %sign3A_173 : i32
    %sign3A_175 = arith.extui %sign3A_174 : i1 to i32
    %sign3A_176 = arith.subi %sign3A_172, %sign3A_175 : i32
    %ne3A_177 = arith.cmpi ne, %sign3A_169, %sign3A_176 : i32
    %rem3A_178 = arith.remsi %add3A_154, %jit3A_161 : i32
    %ne3A_179 = arith.constant 0 : i32
    %ne3A_180 = arith.cmpi ne, %rem3A_178, %ne3A_179 : i32
    %and3A_181 = arith.andi %ne3A_177, %ne3A_180 : i1
    %sub3A_182 = arith.constant 1 : i32
    %sub3A_183 = arith.subi %div3A_162, %sub3A_182 : i32
    %select_n3A_184 = arith.select %and3A_181, %sub3A_183, %div3A_162 : i32
    "tpu.region"() ({
      %run_scoped3A = tpu.sem_alloc : memref<!tpu.dma_semaphore, #tpu.memory_space<semaphore_mem>>
      %dma_start3A_249 = tpu.memref_reshape %arg6 : memref<416x128xf32, #tpu.memory_space<vmem>> -> memref<16x26x128xf32, #tpu.memory_space<vmem>>
      %dma_start3A_250 = arith.constant 0 : i32
      %dma_start3A_251 = arith.constant 0 : i32
      %dma_start3A_252 = tpu.memref_slice %arg4[%select_n3A_184, %dma_start3A_250, %dma_start3A_251] : memref<4096x26x128xf32, #tpu.memory_space<hbm>> -> memref<16x26x128xf32, #tpu.memory_space<hbm>>
      %dma_start3A_253 = arith.constant 0 : i32
      %dma_start3A_254 = arith.constant 0 : i32
      %dma_start3A_255 = tpu.memref_slice %arg4[%select_n3A_184, %dma_start3A_253, %dma_start3A_254] : memref<4096x26x128xf32, #tpu.memory_space<hbm>> -> memref<16x26x128xf32, #tpu.memory_space<hbm>>
      %dma_start3A_256 = tpu.memref_reshape %arg6 : memref<416x128xf32, #tpu.memory_space<vmem>> -> memref<16x26x128xf32, #tpu.memory_space<vmem>>
      tpu.enqueue_dma source(%dma_start3A_256 : memref<16x26x128xf32, #tpu.memory_space<vmem>>) target(%dma_start3A_255 : memref<16x26x128xf32, #tpu.memory_space<hbm>>) target_semaphore(%run_scoped3A : memref<!tpu.dma_semaphore, #tpu.memory_space<semaphore_mem>>)
      %dma_wait3A_257 = tpu.memref_reshape %arg6 : memref<416x128xf32, #tpu.memory_space<vmem>> -> memref<16x26x128xf32, #tpu.memory_space<vmem>>
      %dma_wait3A_258 = arith.constant 0 : i32
      %dma_wait3A_259 = arith.constant 0 : i32
      %dma_wait3A_260 = tpu.memref_slice %arg4[%select_n3A_184, %dma_wait3A_258, %dma_wait3A_259] : memref<4096x26x128xf32, #tpu.memory_space<hbm>> -> memref<16x26x128xf32, #tpu.memory_space<hbm>>
      %dma_wait3A_261 = arith.constant 0 : i32
      %dma_wait3A_262 = arith.constant 0 : i32
      %dma_wait3A_263 = tpu.memref_slice %arg4[%select_n3A_184, %dma_wait3A_261, %dma_wait3A_262] : memref<4096x26x128xf32, #tpu.memory_space<hbm>> -> memref<16x26x128xf32, #tpu.memory_space<hbm>>
      %dma_wait3A_264 = tpu.memref_reshape %arg6 : memref<416x128xf32, #tpu.memory_space<vmem>> -> memref<16x26x128xf32, #tpu.memory_space<vmem>>
      tpu.wait_dma2 semaphore(%run_scoped3A : memref<!tpu.dma_semaphore, #tpu.memory_space<semaphore_mem>>) src(%dma_wait3A_264 : memref<16x26x128xf32, #tpu.memory_space<vmem>>) dst(%dma_wait3A_263 : memref<16x26x128xf32, #tpu.memory_space<hbm>>)
      tpu.yield
    }) : () -> ()
    %add3A_185 = arith.constant 2496 : i32
    %add3A_186 = arith.addi %mul3A_2, %add3A_185 : i32
    "tpu.region"() ({
      %run_scoped3A = tpu.sem_alloc : memref<!tpu.dma_semaphore, #tpu.memory_space<semaphore_mem>>
      %dma_start3A_249 = tpu.memref_slice %arg3[%add3A_186] : memref<106496xi32, #tpu.memory_space<hbm>> -> memref<416xi32, #tpu.memory_space<hbm>>
      %dma_start3A_250 = tpu.memref_slice %arg3[%add3A_186] : memref<106496xi32, #tpu.memory_space<hbm>> -> memref<416xi32, #tpu.memory_space<hbm>>
      tpu.enqueue_dma source(%dma_start3A_250 : memref<416xi32, #tpu.memory_space<hbm>>) target(%arg5 : memref<416xi32, #tpu.memory_space<vmem>>) target_semaphore(%run_scoped3A : memref<!tpu.dma_semaphore, #tpu.memory_space<semaphore_mem>>)
      %dma_wait3A_251 = tpu.memref_slice %arg3[%add3A_186] : memref<106496xi32, #tpu.memory_space<hbm>> -> memref<416xi32, #tpu.memory_space<hbm>>
      %dma_wait3A_252 = tpu.memref_slice %arg3[%add3A_186] : memref<106496xi32, #tpu.memory_space<hbm>> -> memref<416xi32, #tpu.memory_space<hbm>>
      tpu.wait_dma2 semaphore(%run_scoped3A : memref<!tpu.dma_semaphore, #tpu.memory_space<semaphore_mem>>) src(%dma_wait3A_252 : memref<416xi32, #tpu.memory_space<hbm>>) dst(%arg5 : memref<416xi32, #tpu.memory_space<vmem>>)
      tpu.yield
    }) : () -> ()
    %dma_start3A_187 = arith.constant 0 : i32
    %dma_start3A_188 = arith.constant 0 : i32
    %dma_start3A_189 = tpu.memref_slice %arg2[%dma_start3A_187, %dma_start3A_188] : memref<500000x128xf32, #tpu.memory_space<hbm>> -> memref<500000x128xf32, #tpu.memory_space<hbm>>
    tpu.enqueue_indirect_dma source(%dma_start3A_189 : memref<500000x128xf32, #tpu.memory_space<hbm>>) target(%arg6 : memref<416x128xf32, #tpu.memory_space<vmem>>) offsets(%arg5 : memref<416xi32, #tpu.memory_space<vmem>>) semaphore(%arg7 : memref<!tpu.dma_semaphore, #tpu.memory_space<semaphore_mem>>)
    %dma_wait3A_190 = arith.constant 0 : i32
    %dma_wait3A_191 = arith.constant 0 : i32
    %dma_wait3A_192 = tpu.memref_slice %arg2[%dma_wait3A_190, %dma_wait3A_191] : memref<500000x128xf32, #tpu.memory_space<hbm>> -> memref<500000x128xf32, #tpu.memory_space<hbm>>
    tpu.wait_indirect_dma semaphore(%arg7 : memref<!tpu.dma_semaphore, #tpu.memory_space<semaphore_mem>>) src(%dma_wait3A_192 : memref<500000x128xf32, #tpu.memory_space<hbm>>) dst(%arg6 : memref<416x128xf32, #tpu.memory_space<vmem>>)
    %jit3A_193 = arith.constant 26 : i32
    %div3A_194 = arith.divsi %add3A_186, %jit3A_193 : i32
    %sign3A_195 = arith.constant 0 : i32
    %sign3A_196 = arith.cmpi sgt, %add3A_186, %sign3A_195 : i32
    %sign3A_197 = arith.extui %sign3A_196 : i1 to i32
    %sign3A_198 = arith.constant 0 : i32
    %sign3A_199 = arith.cmpi slt, %add3A_186, %sign3A_198 : i32
    %sign3A_200 = arith.extui %sign3A_199 : i1 to i32
    %sign3A_201 = arith.subi %sign3A_197, %sign3A_200 : i32
    %sign3A_202 = arith.constant 0 : i32
    %sign3A_203 = arith.cmpi sgt, %jit3A_193, %sign3A_202 : i32
    %sign3A_204 = arith.extui %sign3A_203 : i1 to i32
    %sign3A_205 = arith.constant 0 : i32
    %sign3A_206 = arith.cmpi slt, %jit3A_193, %sign3A_205 : i32
    %sign3A_207 = arith.extui %sign3A_206 : i1 to i32
    %sign3A_208 = arith.subi %sign3A_204, %sign3A_207 : i32
    %ne3A_209 = arith.cmpi ne, %sign3A_201, %sign3A_208 : i32
    %rem3A_210 = arith.remsi %add3A_186, %jit3A_193 : i32
    %ne3A_211 = arith.constant 0 : i32
    %ne3A_212 = arith.cmpi ne, %rem3A_210, %ne3A_211 : i32
    %and3A_213 = arith.andi %ne3A_209, %ne3A_212 : i1
    %sub3A_214 = arith.constant 1 : i32
    %sub3A_215 = arith.subi %div3A_194, %sub3A_214 : i32
    %select_n3A_216 = arith.select %and3A_213, %sub3A_215, %div3A_194 : i32
    "tpu.region"() ({
      %run_scoped3A = tpu.sem_alloc : memref<!tpu.dma_semaphore, #tpu.memory_space<semaphore_mem>>
      %dma_start3A_249 = tpu.memref_reshape %arg6 : memref<416x128xf32, #tpu.memory_space<vmem>> -> memref<16x26x128xf32, #tpu.memory_space<vmem>>
      %dma_start3A_250 = arith.constant 0 : i32
      %dma_start3A_251 = arith.constant 0 : i32
      %dma_start3A_252 = tpu.memref_slice %arg4[%select_n3A_216, %dma_start3A_250, %dma_start3A_251] : memref<4096x26x128xf32, #tpu.memory_space<hbm>> -> memref<16x26x128xf32, #tpu.memory_space<hbm>>
      %dma_start3A_253 = arith.constant 0 : i32
      %dma_start3A_254 = arith.constant 0 : i32
      %dma_start3A_255 = tpu.memref_slice %arg4[%select_n3A_216, %dma_start3A_253, %dma_start3A_254] : memref<4096x26x128xf32, #tpu.memory_space<hbm>> -> memref<16x26x128xf32, #tpu.memory_space<hbm>>
      %dma_start3A_256 = tpu.memref_reshape %arg6 : memref<416x128xf32, #tpu.memory_space<vmem>> -> memref<16x26x128xf32, #tpu.memory_space<vmem>>
      tpu.enqueue_dma source(%dma_start3A_256 : memref<16x26x128xf32, #tpu.memory_space<vmem>>) target(%dma_start3A_255 : memref<16x26x128xf32, #tpu.memory_space<hbm>>) target_semaphore(%run_scoped3A : memref<!tpu.dma_semaphore, #tpu.memory_space<semaphore_mem>>)
      %dma_wait3A_257 = tpu.memref_reshape %arg6 : memref<416x128xf32, #tpu.memory_space<vmem>> -> memref<16x26x128xf32, #tpu.memory_space<vmem>>
      %dma_wait3A_258 = arith.constant 0 : i32
      %dma_wait3A_259 = arith.constant 0 : i32
      %dma_wait3A_260 = tpu.memref_slice %arg4[%select_n3A_216, %dma_wait3A_258, %dma_wait3A_259] : memref<4096x26x128xf32, #tpu.memory_space<hbm>> -> memref<16x26x128xf32, #tpu.memory_space<hbm>>
      %dma_wait3A_261 = arith.constant 0 : i32
      %dma_wait3A_262 = arith.constant 0 : i32
      %dma_wait3A_263 = tpu.memref_slice %arg4[%select_n3A_216, %dma_wait3A_261, %dma_wait3A_262] : memref<4096x26x128xf32, #tpu.memory_space<hbm>> -> memref<16x26x128xf32, #tpu.memory_space<hbm>>
      %dma_wait3A_264 = tpu.memref_reshape %arg6 : memref<416x128xf32, #tpu.memory_space<vmem>> -> memref<16x26x128xf32, #tpu.memory_space<vmem>>
      tpu.wait_dma2 semaphore(%run_scoped3A : memref<!tpu.dma_semaphore, #tpu.memory_space<semaphore_mem>>) src(%dma_wait3A_264 : memref<16x26x128xf32, #tpu.memory_space<vmem>>) dst(%dma_wait3A_263 : memref<16x26x128xf32, #tpu.memory_space<hbm>>)
      tpu.yield
    }) : () -> ()
    %add3A_217 = arith.constant 2912 : i32
    %add3A_218 = arith.addi %mul3A_2, %add3A_217 : i32
    "tpu.region"() ({
      %run_scoped3A = tpu.sem_alloc : memref<!tpu.dma_semaphore, #tpu.memory_space<semaphore_mem>>
      %dma_start3A_249 = tpu.memref_slice %arg3[%add3A_218] : memref<106496xi32, #tpu.memory_space<hbm>> -> memref<416xi32, #tpu.memory_space<hbm>>
      %dma_start3A_250 = tpu.memref_slice %arg3[%add3A_218] : memref<106496xi32, #tpu.memory_space<hbm>> -> memref<416xi32, #tpu.memory_space<hbm>>
      tpu.enqueue_dma source(%dma_start3A_250 : memref<416xi32, #tpu.memory_space<hbm>>) target(%arg5 : memref<416xi32, #tpu.memory_space<vmem>>) target_semaphore(%run_scoped3A : memref<!tpu.dma_semaphore, #tpu.memory_space<semaphore_mem>>)
      %dma_wait3A_251 = tpu.memref_slice %arg3[%add3A_218] : memref<106496xi32, #tpu.memory_space<hbm>> -> memref<416xi32, #tpu.memory_space<hbm>>
      %dma_wait3A_252 = tpu.memref_slice %arg3[%add3A_218] : memref<106496xi32, #tpu.memory_space<hbm>> -> memref<416xi32, #tpu.memory_space<hbm>>
      tpu.wait_dma2 semaphore(%run_scoped3A : memref<!tpu.dma_semaphore, #tpu.memory_space<semaphore_mem>>) src(%dma_wait3A_252 : memref<416xi32, #tpu.memory_space<hbm>>) dst(%arg5 : memref<416xi32, #tpu.memory_space<vmem>>)
      tpu.yield
    }) : () -> ()
    %dma_start3A_219 = arith.constant 0 : i32
    %dma_start3A_220 = arith.constant 0 : i32
    %dma_start3A_221 = tpu.memref_slice %arg2[%dma_start3A_219, %dma_start3A_220] : memref<500000x128xf32, #tpu.memory_space<hbm>> -> memref<500000x128xf32, #tpu.memory_space<hbm>>
    tpu.enqueue_indirect_dma source(%dma_start3A_221 : memref<500000x128xf32, #tpu.memory_space<hbm>>) target(%arg6 : memref<416x128xf32, #tpu.memory_space<vmem>>) offsets(%arg5 : memref<416xi32, #tpu.memory_space<vmem>>) semaphore(%arg7 : memref<!tpu.dma_semaphore, #tpu.memory_space<semaphore_mem>>)
    %dma_wait3A_222 = arith.constant 0 : i32
    %dma_wait3A_223 = arith.constant 0 : i32
    %dma_wait3A_224 = tpu.memref_slice %arg2[%dma_wait3A_222, %dma_wait3A_223] : memref<500000x128xf32, #tpu.memory_space<hbm>> -> memref<500000x128xf32, #tpu.memory_space<hbm>>
    tpu.wait_indirect_dma semaphore(%arg7 : memref<!tpu.dma_semaphore, #tpu.memory_space<semaphore_mem>>) src(%dma_wait3A_224 : memref<500000x128xf32, #tpu.memory_space<hbm>>) dst(%arg6 : memref<416x128xf32, #tpu.memory_space<vmem>>)
    %jit3A_225 = arith.constant 26 : i32
    %div3A_226 = arith.divsi %add3A_218, %jit3A_225 : i32
    %sign3A_227 = arith.constant 0 : i32
    %sign3A_228 = arith.cmpi sgt, %add3A_218, %sign3A_227 : i32
    %sign3A_229 = arith.extui %sign3A_228 : i1 to i32
    %sign3A_230 = arith.constant 0 : i32
    %sign3A_231 = arith.cmpi slt, %add3A_218, %sign3A_230 : i32
    %sign3A_232 = arith.extui %sign3A_231 : i1 to i32
    %sign3A_233 = arith.subi %sign3A_229, %sign3A_232 : i32
    %sign3A_234 = arith.constant 0 : i32
    %sign3A_235 = arith.cmpi sgt, %jit3A_225, %sign3A_234 : i32
    %sign3A_236 = arith.extui %sign3A_235 : i1 to i32
    %sign3A_237 = arith.constant 0 : i32
    %sign3A_238 = arith.cmpi slt, %jit3A_225, %sign3A_237 : i32
    %sign3A_239 = arith.extui %sign3A_238 : i1 to i32
    %sign3A_240 = arith.subi %sign3A_236, %sign3A_239 : i32
    %ne3A_241 = arith.cmpi ne, %sign3A_233, %sign3A_240 : i32
    %rem3A_242 = arith.remsi %add3A_218, %jit3A_225 : i32
    %ne3A_243 = arith.constant 0 : i32
    %ne3A_244 = arith.cmpi ne, %rem3A_242, %ne3A_243 : i32
    %and3A_245 = arith.andi %ne3A_241, %ne3A_244 : i1
    %sub3A_246 = arith.constant 1 : i32
    %sub3A_247 = arith.subi %div3A_226, %sub3A_246 : i32
    %select_n3A_248 = arith.select %and3A_245, %sub3A_247, %div3A_226 : i32
    "tpu.region"() ({
      %run_scoped3A = tpu.sem_alloc : memref<!tpu.dma_semaphore, #tpu.memory_space<semaphore_mem>>
      %dma_start3A_249 = tpu.memref_reshape %arg6 : memref<416x128xf32, #tpu.memory_space<vmem>> -> memref<16x26x128xf32, #tpu.memory_space<vmem>>
      %dma_start3A_250 = arith.constant 0 : i32
      %dma_start3A_251 = arith.constant 0 : i32
      %dma_start3A_252 = tpu.memref_slice %arg4[%select_n3A_248, %dma_start3A_250, %dma_start3A_251] : memref<4096x26x128xf32, #tpu.memory_space<hbm>> -> memref<16x26x128xf32, #tpu.memory_space<hbm>>
      %dma_start3A_253 = arith.constant 0 : i32
      %dma_start3A_254 = arith.constant 0 : i32
      %dma_start3A_255 = tpu.memref_slice %arg4[%select_n3A_248, %dma_start3A_253, %dma_start3A_254] : memref<4096x26x128xf32, #tpu.memory_space<hbm>> -> memref<16x26x128xf32, #tpu.memory_space<hbm>>
      %dma_start3A_256 = tpu.memref_reshape %arg6 : memref<416x128xf32, #tpu.memory_space<vmem>> -> memref<16x26x128xf32, #tpu.memory_space<vmem>>
      tpu.enqueue_dma source(%dma_start3A_256 : memref<16x26x128xf32, #tpu.memory_space<vmem>>) target(%dma_start3A_255 : memref<16x26x128xf32, #tpu.memory_space<hbm>>) target_semaphore(%run_scoped3A : memref<!tpu.dma_semaphore, #tpu.memory_space<semaphore_mem>>)
      %dma_wait3A_257 = tpu.memref_reshape %arg6 : memref<416x128xf32, #tpu.memory_space<vmem>> -> memref<16x26x128xf32, #tpu.memory_space<vmem>>
      %dma_wait3A_258 = arith.constant 0 : i32
      %dma_wait3A_259 = arith.constant 0 : i32
      %dma_wait3A_260 = tpu.memref_slice %arg4[%select_n3A_248, %dma_wait3A_258, %dma_wait3A_259] : memref<4096x26x128xf32, #tpu.memory_space<hbm>> -> memref<16x26x128xf32, #tpu.memory_space<hbm>>
      %dma_wait3A_261 = arith.constant 0 : i32
      %dma_wait3A_262 = arith.constant 0 : i32
      %dma_wait3A_263 = tpu.memref_slice %arg4[%select_n3A_248, %dma_wait3A_261, %dma_wait3A_262] : memref<4096x26x128xf32, #tpu.memory_space<hbm>> -> memref<16x26x128xf32, #tpu.memory_space<hbm>>
      %dma_wait3A_264 = tpu.memref_reshape %arg6 : memref<416x128xf32, #tpu.memory_space<vmem>> -> memref<16x26x128xf32, #tpu.memory_space<vmem>>
      tpu.wait_dma2 semaphore(%run_scoped3A : memref<!tpu.dma_semaphore, #tpu.memory_space<semaphore_mem>>) src(%dma_wait3A_264 : memref<16x26x128xf32, #tpu.memory_space<vmem>>) dst(%dma_wait3A_263 : memref<16x26x128xf32, #tpu.memory_space<hbm>>)
      tpu.yield
    }) : () -> ()
    return
  }
}

</mosaic_0001>

<sc_bundles>
// kernel: _sc_gather_pairs.3.cloned.1.call-start
scs
__scs_entry_jumppad:
0x0: {  	(pc) =	sbr.rel $0x88, $3  }
0x1: {  	(tag) =	ssettag $0x0;
	lr =	simm.s32 $0x1  }
0x2: {  	[smem:$0x3F9F] =	sst lr;
	_ =	strace $0xD0000000  }
0x3: {  	_ = 	snop  }
0x4: {  	_ = 	snop  }
0x5: {  	_ = 	snop  }
0x6: {  	_ = 	snop  }
0x7: {  	_ = 	snop  }
__scs_overlays_trampoline_lowered:
0x8: {  	[smem:$0x3FAE] =	sst s0  }
0x9: {  	[smem:$0x3FAF] =	sst s1  }
0xa: {  	[smem:$0x3FB0] =	sst s2  }
0xb: {  	[smem:$0x3FB1] =	sst s3  }
0xc: {  	[smem:$0x3FB2] =	sst s4  }
0xd: {  	[smem:$0x3FB3] =	sst s5  }
0xe: {  	[smem:$0x3FB4] =	sst s6  }
0xf: {  	[smem:$0x3FB5] =	sst s7  }
0x10: {  	[smem:$0x3FB6] =	sst s8  }
0x11: {  	[smem:$0x3FB7] =	sst s9;
	s0 =	simm.s32 @!p0 $0x0  }
0x12: {  	s1 =	sld [smem:$0x3F9D];
	s0 =	simm.s32 @p0 $0x1  }
0x13: {  	[smem:$0x3FB8] =	sst s0;
	s0 =	simm.s32 @!p1 $0x0  }
0x14: {  	s2 =	sld [smem:$0x3F9C];
	s0 =	simm.s32 @p1 $0x1  }
0x15: {  	[smem:$0x3FB9] =	sst s0;
	s0 =	simm.s32 @!p2 $0x0  }
0x16: {  	s3 =	sld [smem:$0x3FDB];
	s0 =	simm.s32 @p2 $0x1  }
0x17: {  	s4 =	simm.s32 $0x1BF5;
	[smem:$0x3FBB] =	sst s0  }
0x18: {  	s0 =	sld [smem:$0x3F9E];
	_ =	swait.ge [sflag:s4], $0x0  }
0x19: {  	s7 =	sld [smem:$0x3F9F]  }
0x1a: {  	s8 =	sadd.s32 $0xFFFFE003, lr  }
0x1b: {  	s9 =	sadd.s32 $0xFFFFFEF7, lr;
	s5 =	simm.s32 $0xFFFFFFFF;
	p2 =	slt.u32 s8, $0xFFFFF086  }
0x1c: {  	p1 =	slt.u32 s9, $0xF7A;
	s5 =	simm.s32 @!p2 $0x0  }
0x1d: {  	s5 =	simm.s32 @p1 $0x1;
	p0 =	seq.s32 s7, s2  }
0x1e: {  	s7 =	smul.u32 @!p0 $0xF7A, s2;
	p2 =	seq.s32 @!p0 s5, $0x0  }
0x1f: {  	s9 =	smul.u32 $0xF7A, s1;
	s8 =	simm.s32 @!p0 $0x1BF5;
	p2 =	por !p2, p0  }
0x20: {  	[sflag:s8] =	ssyncset.s32 @!p0 $0xFFFFF086;
	s6 =	sadd.s32 @!p0 s3, s7;
	s7 =	simm.s32 @!p0 $0x108  }
0x21: {  	s3 =	sadd.s32 s3, s9;
	s6 =	sadd.s32 @!p0 $0x88, s6;
	s7 =	simm.s32 @p2 $0x1082  }
0x22: {  	[simem:s7], [sflag:s8] =	dma.local @!p0 [hbm:s6], $0xF7A  }
0x23: {  	s9 =	sor.u32 $0xD0000000, s2;
	s6 =	simm.s32 $0x108;
	_ =	swait.ge @!p0 [sflag:s8], $0x0  }
0x24: {  	s3 =	sadd.s32 $0x88, s3;
	s6 =	simm.s32 @!p1 $0x1082;
	[sflag:s4] =	ssyncset.s32 $0xFFFFF086  }
0x25: {  	[simem:s6], [sflag:s4] =	dma.local [hbm:s3], $0xF7A  }
0x26: {  	[smem:$0x3F9F] =	sst s1;
	(tag) =	ssettag s2;
	_ =	strace s9  }
0x27: {  	s1 =	sld [smem:$0x3FAF]  }
0x28: {  	s2 =	sld [smem:$0x3FB0]  }
0x29: {  	s4 =	sld [smem:$0x3FB2]  }
0x2a: {  	p0 =	seq.s32 s5, $0x0;
	s5 =	sld [smem:$0x3FB3]  }
0x2b: {  	s6 =	sld [smem:$0x3FB4]  }
0x2c: {  	s7 =	sld [smem:$0x3FB5]  }
0x2d: {  	s3 =	simm.s32 $0x108;
	s8 =	sld [smem:$0x3FB6]  }
0x2e: {  	s3 =	simm.s32 @!p0 $0x1082;
	s9 =	sld [smem:$0x3FB7]  }
0x2f: {  	lr =	sadd.s32 s0, s3;
	s0 =	sld [smem:$0x3FAE]  }
0x30: {  	s3 =	sld [smem:$0x3FB1]  }
0x31: {  	[smem:$0x3FBA] =	sst s10  }
0x32: {  	s10 =	sld [smem:$0x3FB8];
	_ =	sdelay $0x3  }
0x33: {  	p0 =	seq.s32 s10, $0x1;
	s10 =	sld [smem:$0x3FBA];
	_ =	sdelay $0x3  }
0x34: {  	[smem:$0x3FBA] =	sst s10  }
0x35: {  	s10 =	sld [smem:$0x3FB9];
	_ =	sdelay $0x3  }
0x36: {  	p1 =	seq.s32 s10, $0x1;
	s10 =	sld [smem:$0x3FBA];
	_ =	sdelay $0x3  }
0x37: {  	[smem:$0x3FBA] =	sst s10  }
0x38: {  	s10 =	sld [smem:$0x3FBB]  }
0x39: {  	_ = 	snop;
	(pc) =	sbr.ind lr, $3  }
0x3a: {  	_ = 	snop  }
0x3b: {  	_ = 	snop  }
0x3c: {  	p2 =	seq.s32 s10, $0x1;
	s10 =	sld [smem:$0x3FBA]  }
0x3d: {  	_ =	shalt  }
0x3e: {  	_ =	shalt  }
0x3f: {  	_ =	shalt  }
0x40: {  	_ =	shalt  }
0x41: {  	_ =	shalt  }
0x42: {  	_ =	shalt  }
0x43: {  	_ =	shalt  }
0x44: {  	_ =	shalt  }
0x45: {  	_ =	shalt  }
0x46: {  	_ =	shalt  }
0x47: {  	_ =	shalt  }
0x48: {  	_ =	shalt  }
0x49: {  	_ =	shalt  }
0x4a: {  	_ =	shalt  }
0x4b: {  	_ =	shalt  }
0x4c: {  	_ =	shalt  }
0x4d: {  	_ =	shalt  }
0x4e: {  	_ =	shalt  }
0x4f: {  	_ =	shalt  }
0x50: {  	_ =	shalt  }
0x51: {  	_ =	shalt  }
0x52: {  	_ =	shalt  }
0x53: {  	_ =	shalt  }
0x54: {  	_ =	shalt  }
0x55: {  	_ =	shalt  }
0x56: {  	_ =	shalt  }
0x57: {  	_ =	shalt  }
0x58: {  	_ =	shalt  }
0x59: {  	_ =	shalt  }
0x5a: {  	_ =	shalt  }
0x5b: {  	_ =	shalt  }
0x5c: {  	_ =	shalt  }
0x5d: {  	_ =	shalt  }
0x5e: {  	_ =	shalt  }
0x5f: {  	_ =	shalt  }
0x60: {  	_ =	shalt  }
0x61: {  	_ =	shalt  }
0x62: {  	_ =	shalt  }
0x63: {  	_ =	shalt  }
0x64: {  	_ =	shalt  }
0x65: {  	_ =	shalt  }
0x66: {  	_ =	shalt  }
0x67: {  	_ =	shalt  }
0x68: {  	_ =	shalt  }
0x69: {  	_ =	shalt  }
0x6a: {  	_ =	shalt  }
0x6b: {  	_ =	shalt  }
0x6c: {  	_ =	shalt  }
0x6d: {  	_ =	shalt  }
0x6e: {  	_ =	shalt  }
0x6f: {  	_ =	shalt  }
0x70: {  	_ =	shalt  }
0x71: {  	_ =	shalt  }
0x72: {  	_ =	shalt  }
0x73: {  	_ =	shalt  }
0x74: {  	_ =	shalt  }
0x75: {  	_ =	shalt  }
0x76: {  	_ =	shalt  }
0x77: {  	_ =	shalt  }
0x78: {  	_ =	shalt  }
0x79: {  	_ =	shalt  }
0x7a: {  	_ =	shalt  }
0x7b: {  	_ =	shalt  }
0x7c: {  	_ =	shalt  }
0x7d: {  	_ =	shalt  }
0x7e: {  	_ =	shalt  }
0x7f: {  	_ =	shalt  }
0x80: {  	_ =	shalt  }
0x81: {  	_ =	shalt  }
0x82: {  	_ =	shalt  }
0x83: {  	_ =	shalt  }
0x84: {  	_ =	shalt  }
0x85: {  	_ =	shalt  }
0x86: {  	_ =	shalt  }
0x87: {  	_ =	shalt  }
.Lfunc_end0:
.L_simem_size_0:
called_computation_lowered:
.L_overlay_start_0:
0x88: {  	s2 =	sld [smem:$0x3FD9]  }
0x89: {  	s3 =	sld [smem:$0x3FFE];
	_ =	sdelay $0x1  }
0x8a: {  	s1 =	srdreg.scid  }
0x8b: {  	s0 =	sand.u32 $0x1, s1  }
0x8c: {  	s17 =	sshll.u32 s0, $0xA;
	s2 =	sadd.s32 s3, s2  }
0x8d: {  	s2 =	sadd.s32 s2, s17  }
0x8e: {  	[smem:$0x3FC6] =	sst s2  }
0x8f: {  	_ = 	snop  }
0x90: {  	s2 =	sld [smem:$0x3FC9]  }
0x91: {  	s18 =	sld [smem:$0x3FC8];
	(tm) =	ssettm $0x1  }
0x92: {  	s4 =	sld [smem:$0x3FFB];
	_ =	sdelay $0x3  }
0x93: {  	_ =	strace s4  }
0x94: {  	s4 =	sld [smem:$0x3FFC];
	_ =	sdelay $0x3  }
0x95: {  	_ =	strace s4  }
0x96: {  	s4 =	sld [smem:$0x3FFD];
	_ =	sdelay $0x3  }
0x97: {  	_ =	strace s4  }
0x98: {  	_ =	strace $0x8FFFFFFF  }
0x99: {  	s19 =	sld [smem:$0x3FDB];
	_ =	sdelay $0x1  }
0x9a: {  	s5 =	simm.s32 $_scs_section_size  }
0x9b: {  	s6 =	simm.s32 $_size__tile_overlayer_lowered;
	s7 =	simm.s32 $_tile_overlayer_lowered  }
0x9c: {  	s22 =	simm.s32 $0x1BFF;
	s21 =	sshll.u32 s7, $0x1;
	s4 =	sadd.s32 s5, s19  }
0x9d: {  	s8 =	simm.s32 $0x0;
	s20 =	sshll.u32 s6, $0x1;
	s6 =	sadd.s32 s21, s4  }
0x9e: {  	[timem:s8], [sflag:s22] =	dma.local [hbm:s6], s20  }
0x9f: {  	_ =	swait.ge [sflag:s22], s20  }
0xa0: {  	s5 =	ssub.s32 $0x0, s20;
	[sflag:s22] =	ssyncset.done $0x0  }
0xa1: {  	[sflag:s22] =	ssyncadd.s32 s5;
	_ =	sdelay $0x1  }
0xa2: {  	s23 =	simm.s32 $0x1B8B  }
0xa3: {  	_ =	swait.ge [sflag:s23], $0x1  }
0xa4: {  	[sflag:s23] =	ssyncset.done $0x0  }
0xa5: {  	s25 =	simm.s32 $0x1B8E;
	s24 =	sld [smem:$0x3FFE];
	[sflag:s23] =	ssyncadd.s32 $0xFFFFFFFF  }
0xa6: {  	s26 =	simm.s32 $execute0_lowered;
	[smem:$0x3FD2] =	sst s25  }
0xa7: {  	s6 =	sshll.u32 s26, $0x1;
	_ =	strace $0x80000046;
	[dreg:$0x1] =	wrdreg $0xFFFFFFFF  }
0xa8: {  	s28 =	simm.s32 $_size_execute0_lowered;
	s4 =	sadd.s32 s4, s6;
	[dreg:$0x0] =	wrdreg $0x0  }
0xa9: {  	s6 =	sshll.u32 s28, $0x1;
	[dreg:$0x2] =	wrdreg s4  }
0xaa: {  	[dreg:$0x3] =	wrdreg s6  }
0xab: {  	[dreg:$0x4] =	wrdreg $0xC0  }
0xac: {  	_ =	task [dreg:s8], $0x5FFFF  }
0xad: {  	[dreg:$0x1] =	wrdreg $0xFFFFFFFF  }
0xae: {  	[dreg:$0x0] =	wrdreg $0x60  }
0xaf: {  	[dreg:$0x2] =	wrdreg s2  }
0xb0: {  	[dreg:$0x3] =	wrdreg s18  }
0xb1: {  	[dreg:$0x4] =	wrdreg s24  }
0xb2: {  	[dreg:$0x5] =	wrdreg $0x9  }
0xb3: {  	_ =	task.clear_ibuf [dreg:s8], $0x6FFFF;
	_ =	strace $0x90000046  }
0xb4: {  	s29 =	simm.s32 $0x9;
	_ =	strace $0x80000048  }
0xb5: {  	_ =	swait.ge [sflag:s29], $0x1  }
0xb6: {  	[sflag:s29] =	ssyncadd.s32 $0xFFFFFFFF  }
0xb7: {  	_ =	strace $0x90000048  }
0xb8: {  	_ =	sfence  }
0xb9: {  	s30 =	sld [smem:$0x0];
	_ =	sdelay $0x2  }
0xba: {  	s31 =	sshll.u32 s1, $0xD;
	s1 =	sshrl.u32 s1, $0x2  }
0xbb: {  	s3 =	sand.u32 $0x4000, s31;
	s1 =	sadd.s32 s1, s30  }
0xbc: {  	s0 =	sor.u32 s3, s0;
	s1 =	sshll.u32 s1, $0x11  }
0xbd: {  	s0 =	sor.u32 s1, s0  }
0xbe: {  	s0 =	sadd.s32 $0x8F2B, s0  }
0xbf: {  	[sflag:s0] =	ssyncadd.remote.s32 $0x1  }
0xc0: {  	_ =	sfence.sel $0xFFFF  }
0xc1: {  	[dreg:$0x0] =	wrdreg $0xFFFFFFFF;
	(pc) =	sbr.abs _section_cstart, $3  }
0xc2: {  	[dreg:$0x1] =	wrdreg $0xFFFFFFFF  }
0xc3: {  	_ =	task.clear_ibuf [dreg:s8], $0x2FFFF;
	_ =	strace $0x9FFFFFFF  }
0xc4: {  	(tm) =	ssettm $0x7FFFFFFF  }
0xc5: {  	_ =	shalt  }
tec
execute0_lowered:
.L_overlay_start_1:
0x0: {  	(tag) =	ssettag $0x1  }
0x1: {  	s1 =	srdreg.scid;
	s0 =	stileid.u32  }
0x2: {  	s2 =	rddreg [dreg:$0x0];
	s25 =	sand.u32 $0x1, s1;
	s30 =	sshll.u32 s0, $0x1  }
0x3: {  	s24 =	rddreg [dreg:$0x1];
	s9 =	sor.u32 s25, s30  }
0x4: {  	s10 =	rddreg [dreg:$0x2];
	s28 =	smul.u32 $0xD00, s9  }
0x5: {  	s3 =	simm.s32 $0x0;
	s1 =	rddreg [dreg:$0x3]  }
0x6: {  	[smem:$0x7FF] =	sst s3;
	s4 =	sshrl.u32 s28, $0x3  }
0x7: {  	_ =	strace $0x80000047;
	s5 =	sadd.s32 s24, s4;
	s4 =	simm.s32 $0x2  }
0x8: {  	[tilespmem:s3], [sflag:$0x2] =	stream.linear.gather [hbm4b:s5+s3], $0x1A0, $0x38;
	[tilespmem:$0xD200] =	vst v63  }
0x9: {  	_ =	swait.ge [sflag:s4], $0x1A0  }
0xa: {  	s6 =	simm.s32 $0x1A0;
	[sflag:s4] =	ssyncset.done $0x0  }
0xb: {  	s7 =	simm.s32 $0x200;
	s8 =	simm.s32 $0x1;
	[sflag:s4] =	ssyncadd.s32 $0xFFFFFE60  }
0xc: {  	[tilespmem:s7], [sflag:$0x1] =	stream.indirect.gather [hbm4b:s2+s6], $0x80, s3, s6, $0xb8;
	[tilespmem:$0xD200] =	vst v63  }
0xd: {  	s11 =	simm.s32 $0x1000;
	_ =	swait.ge [sflag:s8], $0xD000  }
0xe: {  	s26 =	sadd.s32 $0x400, s10;
	s9 =	sshll.u32 s9, $0x10;
	[sflag:s8] =	ssyncset.done $0x0  }
0xf: {  	s10 =	simm.s32 $0xD00;
	s9 =	sadd.s32 s26, s9;
	[sflag:s8] =	ssyncadd.s32 $0xFFFF3000  }
0x10: {  	[hbm4b:s9+s10] =	stream.strided.scatter [tilespmem:s7], [sflag:$0x2], $0xD000, s11, s10, $0x38;
	[tilespmem:$0xD200] =	vst v63  }
0x11: {  	s13 =	sadd.s32 $0x1A0, s28;
	_ =	swait.ge [sflag:s4], $0xD000  }
0x12: {  	s12 =	sshrl.u32 s13, $0x3;
	[sflag:s4] =	ssyncset.done $0x0  }
0x13: {  	s12 =	sadd.s32 s24, s12;
	[sflag:s4] =	ssyncadd.s32 $0xFFFF3000  }
0x14: {  	[tilespmem:s3], [sflag:$0x2] =	stream.linear.gather [hbm4b:s12+s3], $0x1A0, $0x38;
	[tilespmem:$0xD200] =	vst v63  }
0x15: {  	_ =	swait.ge [sflag:s4], $0x1A0  }
0x16: {  	[sflag:s4] =	ssyncset.done $0x0  }
0x17: {  	s13 =	smulhi.u32 $0x9D89D8A, s13;
	[sflag:s4] =	ssyncadd.s32 $0xFFFFFE60  }
0x18: {  	[tilespmem:s7], [sflag:$0x1] =	stream.indirect.gather [hbm4b:s2+s6], $0x80, s3, s6, $0xb8;
	[tilespmem:$0xD200] =	vst v63  }
0x19: {  	s13 =	sshll.u32 s13, $0x9;
	_ =	swait.ge [sflag:s8], $0xD000  }
0x1a: {  	s13 =	sand.u32 $0x1FFFFE00, s13;
	[sflag:s8] =	ssyncset.done $0x0  }
0x1b: {  	s13 =	sadd.s32 s26, s13;
	[sflag:s8] =	ssyncadd.s32 $0xFFFF3000  }
0x1c: {  	[hbm4b:s13+s10] =	stream.strided.scatter [tilespmem:s7], [sflag:$0x2], $0xD000, s11, s10, $0x38;
	[tilespmem:$0xD200] =	vst v63  }
0x1d: {  	s15 =	sadd.s32 $0x340, s28;
	_ =	swait.ge [sflag:s4], $0xD000  }
0x1e: {  	s14 =	sshrl.u32 s15, $0x3;
	[sflag:s4] =	ssyncset.done $0x0  }
0x1f: {  	s14 =	sadd.s32 s24, s14;
	[sflag:s4] =	ssyncadd.s32 $0xFFFF3000  }
0x20: {  	[tilespmem:s3], [sflag:$0x2] =	stream.linear.gather [hbm4b:s14+s3], $0x1A0, $0x38;
	[tilespmem:$0xD200] =	vst v63  }
0x21: {  	_ =	swait.ge [sflag:s4], $0x1A0  }
0x22: {  	[sflag:s4] =	ssyncset.done $0x0  }
0x23: {  	s15 =	smulhi.u32 $0x9D89D8A, s15;
	[sflag:s4] =	ssyncadd.s32 $0xFFFFFE60  }
0x24: {  	[tilespmem:s7], [sflag:$0x1] =	stream.indirect.gather [hbm4b:s2+s6], $0x80, s3, s6, $0xb8;
	[tilespmem:$0xD200] =	vst v63  }
0x25: {  	s15 =	sshll.u32 s15, $0x9;
	_ =	swait.ge [sflag:s8], $0xD000  }
0x26: {  	s15 =	sand.u32 $0x1FFFFE00, s15;
	[sflag:s8] =	ssyncset.done $0x0  }
0x27: {  	s15 =	sadd.s32 s26, s15;
	[sflag:s8] =	ssyncadd.s32 $0xFFFF3000  }
0x28: {  	[hbm4b:s15+s10] =	stream.strided.scatter [tilespmem:s7], [sflag:$0x2], $0xD000, s11, s10, $0x38;
	[tilespmem:$0xD200] =	vst v63  }
0x29: {  	s17 =	sadd.s32 $0x4E0, s28;
	_ =	swait.ge [sflag:s4], $0xD000  }
0x2a: {  	s16 =	sshrl.u32 s17, $0x3;
	[sflag:s4] =	ssyncset.done $0x0  }
0x2b: {  	s16 =	sadd.s32 s24, s16;
	[sflag:s4] =	ssyncadd.s32 $0xFFFF3000  }
0x2c: {  	[tilespmem:s3], [sflag:$0x2] =	stream.linear.gather [hbm4b:s16+s3], $0x1A0, $0x38;
	[tilespmem:$0xD200] =	vst v63  }
0x2d: {  	_ =	swait.ge [sflag:s4], $0x1A0  }
0x2e: {  	[sflag:s4] =	ssyncset.done $0x0  }
0x2f: {  	s17 =	smulhi.u32 $0x9D89D8A, s17;
	[sflag:s4] =	ssyncadd.s32 $0xFFFFFE60  }
0x30: {  	[tilespmem:s7], [sflag:$0x1] =	stream.indirect.gather [hbm4b:s2+s6], $0x80, s3, s6, $0xb8;
	[tilespmem:$0xD200] =	vst v63  }
0x31: {  	s17 =	sshll.u32 s17, $0x9;
	_ =	swait.ge [sflag:s8], $0xD000  }
0x32: {  	s17 =	sand.u32 $0x1FFFFE00, s17;
	[sflag:s8] =	ssyncset.done $0x0  }
0x33: {  	s17 =	sadd.s32 s26, s17;
	[sflag:s8] =	ssyncadd.s32 $0xFFFF3000  }
0x34: {  	[hbm4b:s17+s10] =	stream.strided.scatter [tilespmem:s7], [sflag:$0x2], $0xD000, s11, s10, $0x38;
	[tilespmem:$0xD200] =	vst v63  }
0x35: {  	s19 =	sadd.s32 $0x680, s28;
	_ =	swait.ge [sflag:s4], $0xD000  }
0x36: {  	s18 =	sshrl.u32 s19, $0x3;
	[sflag:s4] =	ssyncset.done $0x0  }
0x37: {  	s18 =	sadd.s32 s24, s18;
	[sflag:s4] =	ssyncadd.s32 $0xFFFF3000  }
0x38: {  	[tilespmem:s3], [sflag:$0x2] =	stream.linear.gather [hbm4b:s18+s3], $0x1A0, $0x38;
	[tilespmem:$0xD200] =	vst v63  }
0x39: {  	_ =	swait.ge [sflag:s4], $0x1A0  }
0x3a: {  	[sflag:s4] =	ssyncset.done $0x0  }
0x3b: {  	s19 =	smulhi.u32 $0x9D89D8A, s19;
	[sflag:s4] =	ssyncadd.s32 $0xFFFFFE60  }
0x3c: {  	[tilespmem:s7], [sflag:$0x1] =	stream.indirect.gather [hbm4b:s2+s6], $0x80, s3, s6, $0xb8;
	[tilespmem:$0xD200] =	vst v63  }
0x3d: {  	s19 =	sshll.u32 s19, $0x9;
	_ =	swait.ge [sflag:s8], $0xD000  }
0x3e: {  	s19 =	sand.u32 $0x1FFFFE00, s19;
	[sflag:s8] =	ssyncset.done $0x0  }
0x3f: {  	s19 =	sadd.s32 s26, s19;
	[sflag:s8] =	ssyncadd.s32 $0xFFFF3000  }
0x40: {  	[hbm4b:s19+s10] =	stream.strided.scatter [tilespmem:s7], [sflag:$0x2], $0xD000, s11, s10, $0x38;
	[tilespmem:$0xD200] =	vst v63  }
0x41: {  	s21 =	sadd.s32 $0x820, s28;
	_ =	swait.ge [sflag:s4], $0xD000  }
0x42: {  	s20 =	sshrl.u32 s21, $0x3;
	[sflag:s4] =	ssyncset.done $0x0  }
0x43: {  	s20 =	sadd.s32 s24, s20;
	[sflag:s4] =	ssyncadd.s32 $0xFFFF3000  }
0x44: {  	[tilespmem:s3], [sflag:$0x2] =	stream.linear.gather [hbm4b:s20+s3], $0x1A0, $0x38;
	[tilespmem:$0xD200] =	vst v63  }
0x45: {  	_ =	swait.ge [sflag:s4], $0x1A0  }
0x46: {  	[sflag:s4] =	ssyncset.done $0x0  }
0x47: {  	s21 =	smulhi.u32 $0x9D89D8A, s21;
	[sflag:s4] =	ssyncadd.s32 $0xFFFFFE60  }
0x48: {  	[tilespmem:s7], [sflag:$0x1] =	stream.indirect.gather [hbm4b:s2+s6], $0x80, s3, s6, $0xb8;
	[tilespmem:$0xD200] =	vst v63  }
0x49: {  	s21 =	sshll.u32 s21, $0x9;
	_ =	swait.ge [sflag:s8], $0xD000  }
0x4a: {  	s21 =	sand.u32 $0x1FFFFE00, s21;
	[sflag:s8] =	ssyncset.done $0x0  }
0x4b: {  	s21 =	sadd.s32 s26, s21;
	[sflag:s8] =	ssyncadd.s32 $0xFFFF3000  }
0x4c: {  	[hbm4b:s21+s10] =	stream.strided.scatter [tilespmem:s7], [sflag:$0x2], $0xD000, s11, s10, $0x38;
	[tilespmem:$0xD200] =	vst v63  }
0x4d: {  	s23 =	sadd.s32 $0x9C0, s28;
	_ =	swait.ge [sflag:s4], $0xD000  }
0x4e: {  	s22 =	sshrl.u32 s23, $0x3;
	[sflag:s4] =	ssyncset.done $0x0  }
0x4f: {  	s22 =	sadd.s32 s24, s22;
	[sflag:s4] =	ssyncadd.s32 $0xFFFF3000  }
0x50: {  	[tilespmem:s3], [sflag:$0x2] =	stream.linear.gather [hbm4b:s22+s3], $0x1A0, $0x38;
	[tilespmem:$0xD200] =	vst v63  }
0x51: {  	_ =	swait.ge [sflag:s4], $0x1A0  }
0x52: {  	[sflag:s4] =	ssyncset.done $0x0  }
0x53: {  	s23 =	smulhi.u32 $0x9D89D8A, s23;
	[sflag:s4] =	ssyncadd.s32 $0xFFFFFE60  }
0x54: {  	[tilespmem:s7], [sflag:$0x1] =	stream.indirect.gather [hbm4b:s2+s6], $0x80, s3, s6, $0xb8;
	[tilespmem:$0xD200] =	vst v63  }
0x55: {  	s23 =	sshll.u32 s23, $0x9;
	_ =	swait.ge [sflag:s8], $0xD000  }
0x56: {  	s23 =	sand.u32 $0x1FFFFE00, s23;
	[sflag:s8] =	ssyncset.done $0x0  }
0x57: {  	s23 =	sadd.s32 s26, s23;
	[sflag:s8] =	ssyncadd.s32 $0xFFFF3000  }
0x58: {  	[hbm4b:s23+s10] =	stream.strided.scatter [tilespmem:s7], [sflag:$0x2], $0xD000, s11, s10, $0x38;
	[tilespmem:$0xD200] =	vst v63  }
0x59: {  	s28 =	sadd.s32 $0xB60, s28;
	_ =	swait.ge [sflag:s4], $0xD000  }
0x5a: {  	s29 =	sshrl.u32 s28, $0x3;
	[sflag:s4] =	ssyncset.done $0x0  }
0x5b: {  	s25 =	ssub.s32 $0x2, s25;
	s24 =	sadd.s32 s24, s29;
	[sflag:s4] =	ssyncadd.s32 $0xFFFF3000  }
0x5c: {  	[tilespmem:s3], [sflag:$0x2] =	stream.linear.gather [hbm4b:s24+s3], $0x1A0, $0x38;
	[tilespmem:$0xD200] =	vst v63  }
0x5d: {  	s31 =	sshrl.u32 s25, $0x1;
	_ =	swait.ge [sflag:s4], $0x1A0  }
0x5e: {  	s29 =	ssub.s32 s25, s31;
	[sflag:s4] =	ssyncset.done $0x0  }
0x5f: {  	s28 =	smulhi.u32 $0x9D89D8A, s28;
	s31 =	smax.u32 s29, $0x1;
	[sflag:s4] =	ssyncadd.s32 $0xFFFFFE60  }
0x60: {  	[tilespmem:s7], [sflag:$0x1] =	stream.indirect.gather [hbm4b:s2+s6], $0x80, s3, s6, $0xb8;
	[tilespmem:$0xD200] =	vst v63  }
0x61: {  	s28 =	sshll.u32 s28, $0x9;
	p0 =	sne.s32 s31, $0x1;
	_ =	swait.ge [sflag:s8], $0xD000  }
.Ltmp0:
0x62: {  	s30 =	sand.u32 $0x1FFFFE00, s28;
	[sflag:s8] =	ssyncset.done $0x0;
	(pc) =	sbr.rel @!p0 .LBB2_2-.Ltmp0, $4  }
0x63: {  	s25 =	sadd.s32 s26, s30;
	[sflag:s8] =	ssyncadd.s32 $0xFFFF3000  }
0x64: {  	[hbm4b:s25+s10] =	stream.strided.scatter [tilespmem:s7], [sflag:$0x2], $0xD000, s11, s10, $0x38;
	[tilespmem:$0xD200] =	vst v63  }
0x65: {  	_ =	swait.ge [sflag:s4], $0xD000  }
0x66: {  	s26 =	sadd.s32 $0xFFFFFFFF, s31;
	[sflag:s4] =	ssyncset.done $0x0  }
.LBB2_1:
0x67: {  	p0 =	sne.s32 s26, $0x1;
	s26 =	sadd.s32 $0xFFFFFFFF, s26;
	[sflag:s4] =	ssyncadd.s32 $0xFFFF3000  }
0x68: {  	[tilespmem:s3], [sflag:$0x2] =	stream.linear.gather [hbm4b:s5+s3], $0x1A0, $0x38;
	[tilespmem:$0xD200] =	vst v63  }
0x69: {  	_ =	swait.ge [sflag:s4], $0x1A0  }
0x6a: {  	[sflag:s4] =	ssyncset.done $0x0  }
0x6b: {  	[sflag:s4] =	ssyncadd.s32 $0xFFFFFE60  }
0x6c: {  	[tilespmem:s7], [sflag:$0x1] =	stream.indirect.gather [hbm4b:s2+s6], $0x80, s3, s6, $0xb8;
	[tilespmem:$0xD200] =	vst v63  }
0x6d: {  	_ =	swait.ge [sflag:s8], $0xD000  }
0x6e: {  	[sflag:s8] =	ssyncset.done $0x0  }
0x6f: {  	[sflag:s8] =	ssyncadd.s32 $0xFFFF3000  }
0x70: {  	[hbm4b:s9+s10] =	stream.strided.scatter [tilespmem:s7], [sflag:$0x2], $0xD000, s11, s10, $0x38;
	[tilespmem:$0xD200] =	vst v63  }
0x71: {  	_ =	swait.ge [sflag:s4], $0xD000  }
0x72: {  	[sflag:s4] =	ssyncset.done $0x0  }
0x73: {  	[sflag:s4] =	ssyncadd.s32 $0xFFFF3000  }
0x74: {  	[tilespmem:s3], [sflag:$0x2] =	stream.linear.gather [hbm4b:s12+s3], $0x1A0, $0x38;
	[tilespmem:$0xD200] =	vst v63  }
0x75: {  	_ =	swait.ge [sflag:s4], $0x1A0  }
0x76: {  	[sflag:s4] =	ssyncset.done $0x0  }
0x77: {  	[sflag:s4] =	ssyncadd.s32 $0xFFFFFE60  }
0x78: {  	[tilespmem:s7], [sflag:$0x1] =	stream.indirect.gather [hbm4b:s2+s6], $0x80, s3, s6, $0xb8;
	[tilespmem:$0xD200] =	vst v63  }
0x79: {  	_ =	swait.ge [sflag:s8], $0xD000  }
0x7a: {  	[sflag:s8] =	ssyncset.done $0x0  }
0x7b: {  	[sflag:s8] =	ssyncadd.s32 $0xFFFF3000  }
0x7c: {  	[hbm4b:s13+s10] =	stream.strided.scatter [tilespmem:s7], [sflag:$0x2], $0xD000, s11, s10, $0x38;
	[tilespmem:$0xD200] =	vst v63  }
0x7d: {  	_ =	swait.ge [sflag:s4], $0xD000  }
0x7e: {  	[sflag:s4] =	ssyncset.done $0x0  }
0x7f: {  	[sflag:s4] =	ssyncadd.s32 $0xFFFF3000  }
0x80: {  	[tilespmem:s3], [sflag:$0x2] =	stream.linear.gather [hbm4b:s14+s3], $0x1A0, $0x38;
	[tilespmem:$0xD200] =	vst v63  }
0x81: {  	_ =	swait.ge [sflag:s4], $0x1A0  }
0x82: {  	[sflag:s4] =	ssyncset.done $0x0  }
0x83: {  	[sflag:s4] =	ssyncadd.s32 $0xFFFFFE60  }
0x84: {  	[tilespmem:s7], [sflag:$0x1] =	stream.indirect.gather [hbm4b:s2+s6], $0x80, s3, s6, $0xb8;
	[tilespmem:$0xD200] =	vst v63  }
0x85: {  	_ =	swait.ge [sflag:s8], $0xD000  }
0x86: {  	[sflag:s8] =	ssyncset.done $0x0  }
0x87: {  	[sflag:s8] =	ssyncadd.s32 $0xFFFF3000  }
0x88: {  	[hbm4b:s15+s10] =	stream.strided.scatter [tilespmem:s7], [sflag:$0x2], $0xD000, s11, s10, $0x38;
	[tilespmem:$0xD200] =	vst v63  }
0x89: {  	_ =	swait.ge [sflag:s4], $0xD000  }
0x8a: {  	[sflag:s4] =	ssyncset.done $0x0  }
0x8b: {  	[sflag:s4] =	ssyncadd.s32 $0xFFFF3000  }
0x8c: {  	[tilespmem:s3], [sflag:$0x2] =	stream.linear.gather [hbm4b:s16+s3], $0x1A0, $0x38;
	[tilespmem:$0xD200] =	vst v63  }
0x8d: {  	_ =	swait.ge [sflag:s4], $0x1A0  }
0x8e: {  	[sflag:s4] =	ssyncset.done $0x0  }
0x8f: {  	[sflag:s4] =	ssyncadd.s32 $0xFFFFFE60  }
0x90: {  	[tilespmem:s7], [sflag:$0x1] =	stream.indirect.gather [hbm4b:s2+s6], $0x80, s3, s6, $0xb8;
	[tilespmem:$0xD200] =	vst v63  }
0x91: {  	_ =	swait.ge [sflag:s8], $0xD000  }
0x92: {  	[sflag:s8] =	ssyncset.done $0x0  }
0x93: {  	[sflag:s8] =	ssyncadd.s32 $0xFFFF3000  }
0x94: {  	[hbm4b:s17+s10] =	stream.strided.scatter [tilespmem:s7], [sflag:$0x2], $0xD000, s11, s10, $0x38;
	[tilespmem:$0xD200] =	vst v63  }
0x95: {  	_ =	swait.ge [sflag:s4], $0xD000  }
0x96: {  	[sflag:s4] =	ssyncset.done $0x0  }
0x97: {  	[sflag:s4] =	ssyncadd.s32 $0xFFFF3000  }
0x98: {  	[tilespmem:s3], [sflag:$0x2] =	stream.linear.gather [hbm4b:s18+s3], $0x1A0, $0x38;
	[tilespmem:$0xD200] =	vst v63  }
0x99: {  	_ =	swait.ge [sflag:s4], $0x1A0  }
0x9a: {  	[sflag:s4] =	ssyncset.done $0x0  }
0x9b: {  	[sflag:s4] =	ssyncadd.s32 $0xFFFFFE60  }
0x9c: {  	[tilespmem:s7], [sflag:$0x1] =	stream.indirect.gather [hbm4b:s2+s6], $0x80, s3, s6, $0xb8;
	[tilespmem:$0xD200] =	vst v63  }
0x9d: {  	_ =	swait.ge [sflag:s8], $0xD000  }
0x9e: {  	[sflag:s8] =	ssyncset.done $0x0  }
0x9f: {  	[sflag:s8] =	ssyncadd.s32 $0xFFFF3000  }
0xa0: {  	[hbm4b:s19+s10] =	stream.strided.scatter [tilespmem:s7], [sflag:$0x2], $0xD000, s11, s10, $0x38;
	[tilespmem:$0xD200] =	vst v63  }
0xa1: {  	_ =	swait.ge [sflag:s4], $0xD000  }
0xa2: {  	[sflag:s4] =	ssyncset.done $0x0  }
0xa3: {  	[sflag:s4] =	ssyncadd.s32 $0xFFFF3000  }
0xa4: {  	[tilespmem:s3], [sflag:$0x2] =	stream.linear.gather [hbm4b:s20+s3], $0x1A0, $0x38;
	[tilespmem:$0xD200] =	vst v63  }
0xa5: {  	_ =	swait.ge [sflag:s4], $0x1A0  }
0xa6: {  	[sflag:s4] =	ssyncset.done $0x0  }
0xa7: {  	[sflag:s4] =	ssyncadd.s32 $0xFFFFFE60  }
0xa8: {  	[tilespmem:s7], [sflag:$0x1] =	stream.indirect.gather [hbm4b:s2+s6], $0x80, s3, s6, $0xb8;
	[tilespmem:$0xD200] =	vst v63  }
0xa9: {  	_ =	swait.ge [sflag:s8], $0xD000  }
0xaa: {  	[sflag:s8] =	ssyncset.done $0x0  }
0xab: {  	[sflag:s8] =	ssyncadd.s32 $0xFFFF3000  }
0xac: {  	[hbm4b:s21+s10] =	stream.strided.scatter [tilespmem:s7], [sflag:$0x2], $0xD000, s11, s10, $0x38;
	[tilespmem:$0xD200] =	vst v63  }
0xad: {  	_ =	swait.ge [sflag:s4], $0xD000  }
0xae: {  	[sflag:s4] =	ssyncset.done $0x0  }
0xaf: {  	[sflag:s4] =	ssyncadd.s32 $0xFFFF3000  }
0xb0: {  	[tilespmem:s3], [sflag:$0x2] =	stream.linear.gather [hbm4b:s22+s3], $0x1A0, $0x38;
	[tilespmem:$0xD200] =	vst v63  }
0xb1: {  	_ =	swait.ge [sflag:s4], $0x1A0  }
0xb2: {  	[sflag:s4] =	ssyncset.done $0x0  }
0xb3: {  	[sflag:s4] =	ssyncadd.s32 $0xFFFFFE60  }
0xb4: {  	[tilespmem:s7], [sflag:$0x1] =	stream.indirect.gather [hbm4b:s2+s6], $0x80, s3, s6, $0xb8;
	[tilespmem:$0xD200] =	vst v63  }
0xb5: {  	_ =	swait.ge [sflag:s8], $0xD000  }
0xb6: {  	[sflag:s8] =	ssyncset.done $0x0  }
0xb7: {  	[sflag:s8] =	ssyncadd.s32 $0xFFFF3000  }
0xb8: {  	[hbm4b:s23+s10] =	stream.strided.scatter [tilespmem:s7], [sflag:$0x2], $0xD000, s11, s10, $0x38;
	[tilespmem:$0xD200] =	vst v63  }
0xb9: {  	_ =	swait.ge [sflag:s4], $0xD000  }
0xba: {  	[sflag:s4] =	ssyncset.done $0x0  }
0xbb: {  	[sflag:s4] =	ssyncadd.s32 $0xFFFF3000  }
0xbc: {  	[tilespmem:s3], [sflag:$0x2] =	stream.linear.gather [hbm4b:s24+s3], $0x1A0, $0x38;
	[tilespmem:$0xD200] =	vst v63  }
0xbd: {  	_ =	swait.ge [sflag:s4], $0x1A0  }
0xbe: {  	[sflag:s4] =	ssyncset.done $0x0  }
0xbf: {  	[sflag:s4] =	ssyncadd.s32 $0xFFFFFE60  }
0xc0: {  	[tilespmem:s7], [sflag:$0x1] =	stream.indirect.gather [hbm4b:s2+s6], $0x80, s3, s6, $0xb8;
	[tilespmem:$0xD200] =	vst v63  }
0xc1: {  	_ =	swait.ge [sflag:s8], $0xD000  }
.Ltmp1:
0xc2: {  	[sflag:s8] =	ssyncset.done $0x0;
	(pc) =	sbr.rel @p0 .LBB2_1-.Ltmp1, $4  }
0xc3: {  	[sflag:s8] =	ssyncadd.s32 $0xFFFF3000  }
0xc4: {  	[hbm4b:s25+s10] =	stream.strided.scatter [tilespmem:s7], [sflag:$0x2], $0xD000, s11, s10, $0x38;
	[tilespmem:$0xD200] =	vst v63  }
0xc5: {  	_ =	swait.ge [sflag:s4], $0xD000  }
0xc6: {  	[sflag:s4] =	ssyncset.done $0x0  }
.LBB2_2:
0xc7: {  	[sflag:s4] =	ssyncadd.s32 $0xFFFF3000  }
0xc8: {  	_ =	sfence.sel $0x180000  }
0xc9: {  	[bflag:$0x0] =	sbarrier.arrive $0xFFFF  }
0xca: {  	p0 =	sne.s32 s0, $0x0;
	_ =	strace $0x90000047  }
0xcb: {  	s0 =	sadd.s32 @!p0 $0x100000, s1;
	[bflag:$0x2] =	sbarrier.arrive $0xFFFF  }
0xcc: {  	[sflag:s0] =	ssyncadd.tile.s32 @!p0 $0x1;
	_ =	shalt  }
.Lfunc_end2:
_tile_overlayer_lowered:
.L_overlay_start_2:
0xcd: {  	(tag) =	ssettag $0x2  }
0xce: {  	s0 =	rddreg [dreg:$0x0];
	s2 =	stileid.u32  }
0xcf: {  	s1 =	rddreg [dreg:$0x1];
	p0 =	sne.s32 s2, $0x0  }
0xd0: {  	s3 =	rddreg [dreg:$0x2];
	[bflag:$0x3] =	sbarrier.arrive $0xFFFF;
	s2 =	simm.s32 @!p0 $0x1C02  }
0xd1: {  	[timem:s3], [sflag:s2] =	dma.local @!p0 [hbm:s0], s1  }
0xd2: {  	s0 =	simm.s32 @!p0 $0x2  }
0xd3: {  	_ =	swait.ge @!p0 [sflag:s0], s1  }
0xd4: {  	s1 =	ssub.s32 @!p0 $0x0, s1;
	[sflag:s0] =	ssyncset.done @!p0 $0x0  }
0xd5: {  	[sflag:s0] =	ssyncadd.s32 @!p0 s1  }
0xd6: {  	[bflag:$0x3] =	sbarrier.arrive $0xFFFF  }
0xd7: {  	_ =	shalt  }

</sc_bundles>
